<compile_context>
chip_gen: v7x
topology: tpu7x:2x2x1
jax: 0.10.2.dev20260603
libtpu: 0.0.44.dev20260713+nightly
codegen_flags: <defaults>
</compile_context>

<pallas_src>
import functools

import jax
import jax.numpy as jnp
from jax import lax
from jax.experimental import pallas as pl
from jax.experimental.pallas import tpu as pltpu
from jax.experimental.pallas import tpu_sc as plsc

N = 10000
E = 320000
D = 128
HID = 256

NC = 2
NS = 16
EPW = E // (NC * NS)
ROWS_PW = 624
ROWS_TAIL = N - NS * ROWS_PW
K = 80
NCH = EPW // K
NB = 5

_sc_mesh = plsc.VectorSubcoreMesh(
    core_axis_name="c", subcore_axis_name="s", num_cores=NC, num_subcores=NS)


def _prop_body(g_hbm, src_hbm, dst_hbm, zeros_hbm, out_hbm,
               sidx, didx_full, didxb, rows, acc, gsems, ssems):
    c = lax.axis_index("c")
    s = lax.axis_index("s")
    wid = c * NS + s

    pltpu.sync_copy(zeros_hbm, acc.at[pl.ds(s * ROWS_PW, ROWS_PW)])

    @pl.when(s == 0)
    def _():
        pltpu.sync_copy(zeros_hbm.at[pl.ds(0, ROWS_TAIL)],
                        acc.at[pl.ds(NS * ROWS_PW, ROWS_TAIL)])

    pltpu.sync_copy(dst_hbm.at[wid], didx_full)
    plsc.subcore_barrier()

    def start(chunk, b):
        pltpu.sync_copy(src_hbm.at[wid, chunk], sidx.at[b])
        for j in range(K // 16):
            didxb[b, pl.ds(j * 16, 16)] = didx_full[chunk, pl.ds(j * 16, 16)]
        pltpu.async_copy(g_hbm.at[sidx.at[b]], rows.at[b], gsems[b])

    def finish(b):
        pltpu.make_async_copy(g_hbm.at[sidx.at[b]], rows.at[b],
                              gsems[b]).wait()
        pltpu.async_copy(rows.at[b], acc.at[didxb.at[b]], ssems[b], add=True)

    def reuse(b):
        pltpu.make_async_copy(rows.at[b], acc.at[didxb.at[b]], ssems[b]).wait()

    start(0, 0)

    @pl.loop(0, NCH - 1, step=2)
    def _(c0):
        for b in range(2):
            o = 1 - b
            if b == 0:
                @pl.when(c0 > 0)
                def _():
                    reuse(o)
            else:
                reuse(o)
            start(c0 + b + 1, o)
            finish(b)

    finish((NCH - 1) % 2)
    reuse(0)
    reuse(1)

    plsc.subcore_barrier()
    pltpu.sync_copy(acc.at[pl.ds(s * ROWS_PW, ROWS_PW)],
                    out_hbm.at[c, pl.ds(s * ROWS_PW, ROWS_PW)])

    @pl.when(s == 0)
    def _():
        pltpu.sync_copy(acc.at[pl.ds(NS * ROWS_PW, ROWS_TAIL)],
                        out_hbm.at[c, pl.ds(NS * ROWS_PW, ROWS_TAIL)])


@jax.jit
def _sc_propagate(g, src3, dst3, zeros_slice):
    return pl.kernel(
        _prop_body,
        out_type=jax.ShapeDtypeStruct((NC, N, D), jnp.float32),
        mesh=_sc_mesh,
        scratch_types=[
            pltpu.VMEM((2, K), jnp.int32),
            pltpu.VMEM((NCH, K), jnp.int32),
            pltpu.VMEM((2, K), jnp.int32),
            pltpu.VMEM((2, K, D), jnp.float32),
            pltpu.VMEM_SHARED((N, D), jnp.float32),
            [pltpu.SemaphoreType.DMA] * 2,
            [pltpu.SemaphoreType.DMA] * 2,
        ],
    )(g, src3, dst3, zeros_slice)


def _deg_body(dst_hbm, zeros_hbm, out_hbm, didx, didxb, ones, acc, ssems):
    c = lax.axis_index("c")
    s = lax.axis_index("s")
    wid = c * NS + s

    @pl.loop(0, K)
    def _(i):
        ones[i] = jnp.full((16,), 1.0, jnp.float32)

    pltpu.sync_copy(zeros_hbm, acc.at[pl.ds(s * ROWS_PW, ROWS_PW)])

    @pl.when(s == 0)
    def _():
        pltpu.sync_copy(zeros_hbm.at[pl.ds(0, ROWS_TAIL)],
                        acc.at[pl.ds(NS * ROWS_PW, ROWS_TAIL)])

    pltpu.sync_copy(dst_hbm.at[wid], didx)
    plsc.subcore_barrier()

    def stage_and_fire(chunk, b):
        for j in range(K // 16):
            didxb[b, pl.ds(j * 16, 16)] = didx[chunk, pl.ds(j * 16, 16)]
        pltpu.async_copy(ones, acc.at[didxb.at[b]], ssems[b], add=True)

    def drain(b):
        pltpu.make_async_copy(ones, acc.at[didxb.at[b]], ssems[b]).wait()

    start_b = NB - 1
    for p in range(start_b):
        stage_and_fire(p, p)

    @pl.loop(0, NCH, step=NB)
    def _(c0):
        for b in range(NB):
            cc = c0 + b
            nxt = (b + start_b) % NB

            @pl.when(cc + start_b < NCH)
            def _():
                if b == 0:
                    @pl.when(cc >= 1)
                    def _():
                        drain(nxt)
                else:
                    drain(nxt)
                stage_and_fire(cc + start_b, nxt)

    for b in range(NB):
        drain(b)

    plsc.subcore_barrier()
    pltpu.sync_copy(acc.at[pl.ds(s * ROWS_PW, ROWS_PW)],
                    out_hbm.at[c, pl.ds(s * ROWS_PW, ROWS_PW)])

    @pl.when(s == 0)
    def _():
        pltpu.sync_copy(acc.at[pl.ds(NS * ROWS_PW, ROWS_TAIL)],
                        out_hbm.at[c, pl.ds(NS * ROWS_PW, ROWS_TAIL)])


@jax.jit
def _sc_degree(dst3, zeros16_slice):
    return pl.kernel(
        _deg_body,
        out_type=jax.ShapeDtypeStruct((NC, N, 16), jnp.float32),
        mesh=_sc_mesh,
        scratch_types=[
            pltpu.VMEM((NCH, K), jnp.int32),
            pltpu.VMEM((NB, K), jnp.int32),
            pltpu.VMEM((K, 16), jnp.float32),
            pltpu.VMEM_SHARED((N, 16), jnp.float32),
            [pltpu.SemaphoreType.DMA] * NB,
        ],
    )(dst3, zeros16_slice)



def _prep_body(degp_ref, x_ref, dinv_ref, g1_ref):
    deg = degp_ref[0, :, 0:1] + degp_ref[1, :, 0:1] + 1.0
    dinv = lax.rsqrt(deg)
    dinv_ref[...] = jnp.broadcast_to(dinv, (N, D))
    g1_ref[...] = x_ref[...] * dinv


@jax.jit
def _tc_prep(degp, x):
    return pl.pallas_call(
        _prep_body,
        out_shape=(jax.ShapeDtypeStruct((N, D), jnp.float32),
                   jax.ShapeDtypeStruct((N, D), jnp.float32)),
    )(degp, x)


def _mid_body(P_ref, g1_ref, dinv_ref, W1_ref, b1_ref, gamma_ref, beta_ref,
              a_ref, W2_ref, g2_ref):
    p1 = dinv_ref[...] * (P_ref[0] + P_ref[1] + g1_ref[...])
    h = jnp.dot(p1, W1_ref[...], preferred_element_type=jnp.float32)
    h = h + b1_ref[...]
    mean = jnp.mean(h, axis=0, keepdims=True)
    var = jnp.mean(h * h, axis=0, keepdims=True) - mean * mean
    xn = (h - mean) * lax.rsqrt(var + 1e-5) * gamma_ref[...] + beta_ref[...]
    xn = jnp.where(xn >= 0, xn, a_ref[0:1, 0:1] * xn)
    m = jnp.dot(xn, W2_ref[...], preferred_element_type=jnp.float32)
    g2_ref[...] = m * dinv_ref[...]


@jax.jit
def _tc_mid(P, g1, dinv, W1, b1, gamma, beta, a2d, W2):
    return pl.pallas_call(
        _mid_body,
        out_shape=jax.ShapeDtypeStruct((N, D), jnp.float32),
    )(P, g1, dinv, W1, b1, gamma, beta, a2d, W2)


def _final_body(Q_ref, g2_ref, dinv_ref, b2_ref, out_ref):
    out_ref[...] = (dinv_ref[...] * (Q_ref[0] + Q_ref[1] + g2_ref[...])
                    + b2_ref[...])


@jax.jit
def _tc_final(Q, g2, dinv, b2):
    return pl.pallas_call(
        _final_body,
        out_shape=jax.ShapeDtypeStruct((N, D), jnp.float32),
    )(Q, g2, dinv, b2)



@jax.jit
def kernel(x, edge_index, W1, b1, gamma, beta, a, W2, b2):
    src3 = edge_index[0].reshape(NC * NS, NCH, K)
    dst3 = edge_index[1].reshape(NC * NS, NCH, K)
    zeros128 = jnp.zeros((ROWS_PW, D), jnp.float32)
    zeros16 = jnp.zeros((ROWS_PW, 16), jnp.float32)
    a2d = jnp.broadcast_to(jnp.asarray(a, jnp.float32).reshape(1, 1), (8, 128))

    degp = _sc_degree(dst3, zeros16)
    dinv, g1 = _tc_prep(degp, x)
    P = _sc_propagate(g1, src3, dst3, zeros128)
    g2 = _tc_mid(P, g1, dinv, W1, b1.reshape(1, HID), gamma.reshape(1, HID),
                 beta.reshape(1, HID), a2d, W2)
    Q = _sc_propagate(g2, src3, dst3, zeros128)
    return _tc_final(Q, g2, dinv, b2.reshape(1, D))

# --- scband reference (transcript-rebuilt; emitter-appended) ---
"""Pipeline reference for scband-two-layer-gcn-47614007443662 (READ-ONLY COPY).

The authoritative reference and input builder live on the scoring server;
editing this copy changes nothing except your own understanding.
"""

import jax, jax.numpy as jnp
import numpy as np

N_NODES = 10000
N_EDGES = 320000
IN_DIM = 128
OUT_DIM = 128
HID = 2 * OUT_DIM


def gcn_conv(x, edge_index, W, b):
    # PyG GCNConv with add_self_loops=True, normalize=True, edge_weight=None
    n = x.shape[0]
    loop = jnp.arange(n, dtype=edge_index.dtype)
    src = jnp.concatenate([edge_index[0], loop])
    dst = jnp.concatenate([edge_index[1], loop])
    ew = jnp.ones(src.shape[0], dtype=x.dtype)
    deg = jax.ops.segment_sum(ew, dst, num_segments=n)
    deg_inv_sqrt = jnp.where(deg > 0, jax.lax.rsqrt(jnp.maximum(deg, 1e-12)), 0.0)
    norm = deg_inv_sqrt[src] * ew * deg_inv_sqrt[dst]
    h = x @ W  # linear transform first (PyG applies lin before propagate)
    msg = h[src] * norm[:, None]
    out = jax.ops.segment_sum(msg, dst, num_segments=n)
    return out + b


def batch_norm_train(x, gamma, beta, eps=1e-5):
    # BatchNorm1d in training mode: uses biased batch statistics
    mean = jnp.mean(x, axis=0)
    var = jnp.mean((x - mean) ** 2, axis=0)
    return (x - mean) * jax.lax.rsqrt(var + eps) * gamma + beta


def prelu(x, a):
    return jnp.where(x >= 0, x, a * x)


def setup_inputs(seed: int = 0):
    key = jax.random.key(seed)
    ks = jax.random.split(key, 8)
    x = jax.random.normal(ks[0], (N_NODES, IN_DIM), dtype=jnp.float32)
    edge_index = jax.random.randint(ks[1], (2, N_EDGES), 0, N_NODES, dtype=jnp.int32)
    # conv1: IN_DIM -> HID ; conv2: HID -> OUT_DIM (glorot-ish init)
    W1 = jax.random.normal(ks[2], (IN_DIM, HID), dtype=jnp.float32) * (1.0 / np.sqrt(IN_DIM))
    b1 = jnp.zeros((HID,), dtype=jnp.float32)
    gamma = jnp.ones((HID,), dtype=jnp.float32)
    beta = jnp.zeros((HID,), dtype=jnp.float32)
    a = jnp.asarray(0.25, dtype=jnp.float32)  # PReLU default single parameter
    W2 = jax.random.normal(ks[3], (HID, OUT_DIM), dtype=jnp.float32) * (1.0 / np.sqrt(HID))
    b2 = jnp.zeros((OUT_DIM,), dtype=jnp.float32)
    return {"x": x, "edge_index": edge_index, "W1": W1, "b1": b1,
            "gamma": gamma, "beta": beta, "a": a, "W2": W2, "b2": b2}


def reference(x, edge_index, W1, b1, gamma, beta, a, W2, b2):
    h = gcn_conv(x, edge_index, W1, b1)
    h = batch_norm_train(h, gamma, beta)
    h = prelu(h, a)
    out = gcn_conv(h, edge_index, W2, b2)
    return out

if __name__ == "__main__":
    import jax
    _d = setup_inputs()
    print(jax.jit(kernel)(*tuple(_d.values())))

</pallas_src>

<mosaic_0001>
#map = affine_map<(d0, d1) -> (0, 0, 0)>
#map1 = affine_map<(d0, d1) -> (0, 0)>
module attributes {stable_mosaic.version = 14 : i64} {
  func.func @_deg_body(%arg0: i32, %arg1: i32, %arg2: memref<32x125x80xi32, #tpu.memory_space<hbm>>, %arg3: memref<624x16xf32, #tpu.memory_space<hbm>>, %arg4: memref<2x10000x16xf32, #tpu.memory_space<hbm>>, %arg5: memref<125x80xi32, #tpu.memory_space<vmem>>, %arg6: memref<5x80xi32, #tpu.memory_space<vmem>>, %arg7: memref<80x16xf32, #tpu.memory_space<vmem>>, %arg8: memref<10000x16xf32, #tpu.memory_space<vmem_shared>>, %arg9: memref<!tpu.dma_semaphore, #tpu.memory_space<semaphore_mem>>, %arg10: memref<!tpu.dma_semaphore, #tpu.memory_space<semaphore_mem>>, %arg11: memref<!tpu.dma_semaphore, #tpu.memory_space<semaphore_mem>>, %arg12: memref<!tpu.dma_semaphore, #tpu.memory_space<semaphore_mem>>, %arg13: memref<!tpu.dma_semaphore, #tpu.memory_space<semaphore_mem>>) attributes {dimension_semantics = [#tpu.dimension_semantics<core_parallel>, #tpu.dimension_semantics<subcore_parallel>], iteration_bounds = array<i64: 2, 16>, scalar_prefetch = 0 : i64, scratch_operands = 9 : i64, tpu.core_type = #tpu.core_type<sc_vector_subcore>, window_params = [{transform_indices = #map}, {transform_indices = #map1}, {transform_indices = #map}]} {
    %mul3A = arith.constant 16 : i32
    %mul3A_0 = arith.muli %arg0, %mul3A : i32
    %add3A = arith.addi %mul3A_0, %arg1 : i32
    %scan3A = arith.constant 0 : i32
    %scan3A_1 = arith.constant 80 : i32
    %scan3A_2 = arith.addi %scan3A, %scan3A_1 : i32
    %scan3A_3 = arith.constant 1 : i32
    scf.for %scan3A_303 = %scan3A to %scan3A_2 step %scan3A_3  : i32 {
      %mul3A_304 = arith.constant 1 : i32
      %mul3A_305 = arith.muli %scan3A_303, %mul3A_304 : i32
      %add3A_306 = arith.constant 0 : i32
      %add3A_307 = arith.addi %add3A_306, %mul3A_305 : i32
      %broadcast_in_dim3A = arith.constant 1.000000e+00 : f32
      %broadcast_in_dim3A_308 = vector.broadcast %broadcast_in_dim3A : f32 to vector<16xf32>
      %swap3A_309 = arith.index_cast %add3A_307 : i32 to index
      %swap3A_310 = arith.constant 0 : index
      %swap3A_311 = tpu.vector_load %arg7[%swap3A_309, %swap3A_310] {strides = array<i32>} : memref<80x16xf32, #tpu.memory_space<vmem>>, vector<1x16xf32>,
      %swap3A_312 = vector.shape_cast %swap3A_311 : vector<1x16xf32> to vector<16xf32>
      %swap3A_313 = vector.shape_cast %broadcast_in_dim3A_308 : vector<16xf32> to vector<1x16xf32>
      tpu.vector_store %arg7[%swap3A_309, %swap3A_310], %swap3A_313 {strides = array<i32>} : memref<80x16xf32, #tpu.memory_space<vmem>>, vector<1x16xf32>,
    }
    %scan3A_4 = arith.constant 80 : i32
    %mul3A_5 = arith.constant 624 : i32
    %mul3A_6 = arith.muli %arg1, %mul3A_5 : i32
    "tpu.region"() ({
      %run_scoped3A = tpu.sem_alloc : memref<!tpu.dma_semaphore, #tpu.memory_space<semaphore_mem>>
      %dma_start3A_303 = arith.constant 0 : i32
      %dma_start3A_304 = tpu.memref_slice %arg8[%mul3A_6, %dma_start3A_303] : memref<10000x16xf32, #tpu.memory_space<vmem_shared>> -> memref<624x16xf32, #tpu.memory_space<vmem_shared>>
      tpu.enqueue_dma source(%arg3 : memref<624x16xf32, #tpu.memory_space<hbm>>) target(%dma_start3A_304 : memref<624x16xf32, #tpu.memory_space<vmem_shared>>) target_semaphore(%run_scoped3A : memref<!tpu.dma_semaphore, #tpu.memory_space<semaphore_mem>>)
      %dma_wait3A_305 = arith.constant 0 : i32
      %dma_wait3A_306 = tpu.memref_slice %arg8[%mul3A_6, %dma_wait3A_305] : memref<10000x16xf32, #tpu.memory_space<vmem_shared>> -> memref<624x16xf32, #tpu.memory_space<vmem_shared>>
      tpu.wait_dma2 semaphore(%run_scoped3A : memref<!tpu.dma_semaphore, #tpu.memory_space<semaphore_mem>>) src(%arg3 : memref<624x16xf32, #tpu.memory_space<hbm>>) dst(%dma_wait3A_306 : memref<624x16xf32, #tpu.memory_space<vmem_shared>>)
      tpu.yield
    }) : () -> ()
    %eq3A = arith.constant 0 : i32
    %eq3A_7 = arith.cmpi eq, %arg1, %eq3A : i32
    %convert_element_type3A = arith.extui %eq3A_7 : i1 to i32
    %cond3A = arith.constant 0 : i32
    %cond3A_8 = arith.cmpi ne, %convert_element_type3A, %cond3A : i32
    scf.if %cond3A_8 {
      "tpu.region"() ({
        %run_scoped3A = tpu.sem_alloc : memref<!tpu.dma_semaphore, #tpu.memory_space<semaphore_mem>>
        %dma_start3A_303 = arith.constant 9984 : i32
        %dma_start3A_304 = arith.constant 0 : i32
        %dma_start3A_305 = tpu.memref_slice %arg8[%dma_start3A_303, %dma_start3A_304] : memref<10000x16xf32, #tpu.memory_space<vmem_shared>> -> memref<16x16xf32, #tpu.memory_space<vmem_shared>>
        %dma_start3A_306 = arith.constant 0 : i32
        %dma_start3A_307 = arith.constant 0 : i32
        %dma_start3A_308 = tpu.memref_slice %arg3[%dma_start3A_306, %dma_start3A_307] : memref<624x16xf32, #tpu.memory_space<hbm>> -> memref<16x16xf32, #tpu.memory_space<hbm>>
        tpu.enqueue_dma source(%dma_start3A_308 : memref<16x16xf32, #tpu.memory_space<hbm>>) target(%dma_start3A_305 : memref<16x16xf32, #tpu.memory_space<vmem_shared>>) target_semaphore(%run_scoped3A : memref<!tpu.dma_semaphore, #tpu.memory_space<semaphore_mem>>)
        %dma_wait3A_309 = arith.constant 9984 : i32
        %dma_wait3A_310 = arith.constant 0 : i32
        %dma_wait3A_311 = tpu.memref_slice %arg8[%dma_wait3A_309, %dma_wait3A_310] : memref<10000x16xf32, #tpu.memory_space<vmem_shared>> -> memref<16x16xf32, #tpu.memory_space<vmem_shared>>
        %dma_wait3A_312 = arith.constant 0 : i32
        %dma_wait3A_313 = arith.constant 0 : i32
        %dma_wait3A_314 = tpu.memref_slice %arg3[%dma_wait3A_312, %dma_wait3A_313] : memref<624x16xf32, #tpu.memory_space<hbm>> -> memref<16x16xf32, #tpu.memory_space<hbm>>
        tpu.wait_dma2 semaphore(%run_scoped3A : memref<!tpu.dma_semaphore, #tpu.memory_space<semaphore_mem>>) src(%dma_wait3A_314 : memref<16x16xf32, #tpu.memory_space<hbm>>) dst(%dma_wait3A_311 : memref<16x16xf32, #tpu.memory_space<vmem_shared>>)
        tpu.yield
      }) : () -> ()
    } else {
    }
    "tpu.region"() ({
      %run_scoped3A = tpu.sem_alloc : memref<!tpu.dma_semaphore, #tpu.memory_space<semaphore_mem>>
      %dma_start3A_303 = arith.constant 0 : i32
      %dma_start3A_304 = arith.constant 0 : i32
      %dma_start3A_305 = tpu.memref_slice %arg2[%add3A, %dma_start3A_303, %dma_start3A_304] : memref<32x125x80xi32, #tpu.memory_space<hbm>> -> memref<1x125x80xi32, #tpu.memory_space<hbm>>
      %dma_start3A_306 = tpu.memref_squeeze %dma_start3A_305 : memref<1x125x80xi32, #tpu.memory_space<hbm>> -> memref<125x80xi32, #tpu.memory_space<hbm>>
      %dma_start3A_307 = arith.constant 0 : i32
      %dma_start3A_308 = arith.constant 0 : i32
      %dma_start3A_309 = tpu.memref_slice %arg2[%add3A, %dma_start3A_307, %dma_start3A_308] : memref<32x125x80xi32, #tpu.memory_space<hbm>> -> memref<1x125x80xi32, #tpu.memory_space<hbm>>
      %dma_start3A_310 = tpu.memref_squeeze %dma_start3A_309 : memref<1x125x80xi32, #tpu.memory_space<hbm>> -> memref<125x80xi32, #tpu.memory_space<hbm>>
      tpu.enqueue_dma source(%dma_start3A_310 : memref<125x80xi32, #tpu.memory_space<hbm>>) target(%arg5 : memref<125x80xi32, #tpu.memory_space<vmem>>) target_semaphore(%run_scoped3A : memref<!tpu.dma_semaphore, #tpu.memory_space<semaphore_mem>>)
      %dma_wait3A_311 = arith.constant 0 : i32
      %dma_wait3A_312 = arith.constant 0 : i32
      %dma_wait3A_313 = tpu.memref_slice %arg2[%add3A, %dma_wait3A_311, %dma_wait3A_312] : memref<32x125x80xi32, #tpu.memory_space<hbm>> -> memref<1x125x80xi32, #tpu.memory_space<hbm>>
      %dma_wait3A_314 = tpu.memref_squeeze %dma_wait3A_313 : memref<1x125x80xi32, #tpu.memory_space<hbm>> -> memref<125x80xi32, #tpu.memory_space<hbm>>
      %dma_wait3A_315 = arith.constant 0 : i32
      %dma_wait3A_316 = arith.constant 0 : i32
      %dma_wait3A_317 = tpu.memref_slice %arg2[%add3A, %dma_wait3A_315, %dma_wait3A_316] : memref<32x125x80xi32, #tpu.memory_space<hbm>> -> memref<1x125x80xi32, #tpu.memory_space<hbm>>
      %dma_wait3A_318 = tpu.memref_squeeze %dma_wait3A_317 : memref<1x125x80xi32, #tpu.memory_space<hbm>> -> memref<125x80xi32, #tpu.memory_space<hbm>>
      tpu.wait_dma2 semaphore(%run_scoped3A : memref<!tpu.dma_semaphore, #tpu.memory_space<semaphore_mem>>) src(%dma_wait3A_318 : memref<125x80xi32, #tpu.memory_space<hbm>>) dst(%arg5 : memref<125x80xi32, #tpu.memory_space<vmem>>)
      tpu.yield
    }) : () -> ()
    %barrier3A = arith.constant 0 : index
    tpu.barrier barrier_id(%barrier3A)
    %get3A = arith.constant 0 : i32
    %get3A_9 = arith.index_cast %get3A : i32 to index
    %get3A_10 = arith.constant 0 : index
    %get3A_11 = tpu.vector_load %arg5[%get3A_9, %get3A_10] {strides = array<i32>} : memref<125x80xi32, #tpu.memory_space<vmem>>, vector<1x16xi32>,
    %get3A_12 = vector.shape_cast %get3A_11 : vector<1x16xi32> to vector<16xi32>
    %swap3A = arith.constant 0 : i32
    %swap3A_13 = arith.index_cast %swap3A : i32 to index
    %swap3A_14 = arith.constant 0 : index
    %swap3A_15 = tpu.vector_load %arg6[%swap3A_13, %swap3A_14] {strides = array<i32>} : memref<5x80xi32, #tpu.memory_space<vmem>>, vector<1x16xi32>,
    %swap3A_16 = vector.shape_cast %swap3A_15 : vector<1x16xi32> to vector<16xi32>
    %swap3A_17 = vector.shape_cast %get3A_12 : vector<16xi32> to vector<1x16xi32>
    tpu.vector_store %arg6[%swap3A_13, %swap3A_14], %swap3A_17 {strides = array<i32>} : memref<5x80xi32, #tpu.memory_space<vmem>>, vector<1x16xi32>,
    %get3A_18 = arith.constant 0 : i32
    %get3A_19 = arith.index_cast %get3A_18 : i32 to index
    %get3A_20 = arith.constant 16 : index
    %get3A_21 = tpu.vector_load %arg5[%get3A_19, %get3A_20] {strides = array<i32>} : memref<125x80xi32, #tpu.memory_space<vmem>>, vector<1x16xi32>,
    %get3A_22 = vector.shape_cast %get3A_21 : vector<1x16xi32> to vector<16xi32>
    %swap3A_23 = arith.constant 0 : i32
    %swap3A_24 = arith.index_cast %swap3A_23 : i32 to index
    %swap3A_25 = arith.constant 16 : index
    %swap3A_26 = tpu.vector_load %arg6[%swap3A_24, %swap3A_25] {strides = array<i32>} : memref<5x80xi32, #tpu.memory_space<vmem>>, vector<1x16xi32>,
    %swap3A_27 = vector.shape_cast %swap3A_26 : vector<1x16xi32> to vector<16xi32>
    %swap3A_28 = vector.shape_cast %get3A_22 : vector<16xi32> to vector<1x16xi32>
    tpu.vector_store %arg6[%swap3A_24, %swap3A_25], %swap3A_28 {strides = array<i32>} : memref<5x80xi32, #tpu.memory_space<vmem>>, vector<1x16xi32>,
    %get3A_29 = arith.constant 0 : i32
    %get3A_30 = arith.index_cast %get3A_29 : i32 to index
    %get3A_31 = arith.constant 32 : index
    %get3A_32 = tpu.vector_load %arg5[%get3A_30, %get3A_31] {strides = array<i32>} : memref<125x80xi32, #tpu.memory_space<vmem>>, vector<1x16xi32>,
    %get3A_33 = vector.shape_cast %get3A_32 : vector<1x16xi32> to vector<16xi32>
    %swap3A_34 = arith.constant 0 : i32
    %swap3A_35 = arith.index_cast %swap3A_34 : i32 to index
    %swap3A_36 = arith.constant 32 : index
    %swap3A_37 = tpu.vector_load %arg6[%swap3A_35, %swap3A_36] {strides = array<i32>} : memref<5x80xi32, #tpu.memory_space<vmem>>, vector<1x16xi32>,
    %swap3A_38 = vector.shape_cast %swap3A_37 : vector<1x16xi32> to vector<16xi32>
    %swap3A_39 = vector.shape_cast %get3A_33 : vector<16xi32> to vector<1x16xi32>
    tpu.vector_store %arg6[%swap3A_35, %swap3A_36], %swap3A_39 {strides = array<i32>} : memref<5x80xi32, #tpu.memory_space<vmem>>, vector<1x16xi32>,
    %get3A_40 = arith.constant 0 : i32
    %get3A_41 = arith.index_cast %get3A_40 : i32 to index
    %get3A_42 = arith.constant 48 : index
    %get3A_43 = tpu.vector_load %arg5[%get3A_41, %get3A_42] {strides = array<i32>} : memref<125x80xi32, #tpu.memory_space<vmem>>, vector<1x16xi32>,
    %get3A_44 = vector.shape_cast %get3A_43 : vector<1x16xi32> to vector<16xi32>
    %swap3A_45 = arith.constant 0 : i32
    %swap3A_46 = arith.index_cast %swap3A_45 : i32 to index
    %swap3A_47 = arith.constant 48 : index
    %swap3A_48 = tpu.vector_load %arg6[%swap3A_46, %swap3A_47] {strides = array<i32>} : memref<5x80xi32, #tpu.memory_space<vmem>>, vector<1x16xi32>,
    %swap3A_49 = vector.shape_cast %swap3A_48 : vector<1x16xi32> to vector<16xi32>
    %swap3A_50 = vector.shape_cast %get3A_44 : vector<16xi32> to vector<1x16xi32>
    tpu.vector_store %arg6[%swap3A_46, %swap3A_47], %swap3A_50 {strides = array<i32>} : memref<5x80xi32, #tpu.memory_space<vmem>>, vector<1x16xi32>,
    %get3A_51 = arith.constant 0 : i32
    %get3A_52 = arith.index_cast %get3A_51 : i32 to index
    %get3A_53 = arith.constant 64 : index
    %get3A_54 = tpu.vector_load %arg5[%get3A_52, %get3A_53] {strides = array<i32>} : memref<125x80xi32, #tpu.memory_space<vmem>>, vector<1x16xi32>,
    %get3A_55 = vector.shape_cast %get3A_54 : vector<1x16xi32> to vector<16xi32>
    %swap3A_56 = arith.constant 0 : i32
    %swap3A_57 = arith.index_cast %swap3A_56 : i32 to index
    %swap3A_58 = arith.constant 64 : index
    %swap3A_59 = tpu.vector_load %arg6[%swap3A_57, %swap3A_58] {strides = array<i32>} : memref<5x80xi32, #tpu.memory_space<vmem>>, vector<1x16xi32>,
    %swap3A_60 = vector.shape_cast %swap3A_59 : vector<1x16xi32> to vector<16xi32>
    %swap3A_61 = vector.shape_cast %get3A_55 : vector<16xi32> to vector<1x16xi32>
    tpu.vector_store %arg6[%swap3A_57, %swap3A_58], %swap3A_61 {strides = array<i32>} : memref<5x80xi32, #tpu.memory_space<vmem>>, vector<1x16xi32>,
    %dma_start3A = arith.constant 0 : i32
    %dma_start3A_62 = arith.constant 0 : i32
    %dma_start3A_63 = tpu.memref_slice %arg6[%dma_start3A, %dma_start3A_62] : memref<5x80xi32, #tpu.memory_space<vmem>> -> memref<1x80xi32, #tpu.memory_space<vmem>>
    %dma_start3A_64 = tpu.memref_squeeze %dma_start3A_63 : memref<1x80xi32, #tpu.memory_space<vmem>> -> memref<80xi32, #tpu.memory_space<vmem>>
    %dma_start3A_65 = arith.constant 0 : i32
    %dma_start3A_66 = arith.constant 0 : i32
    %dma_start3A_67 = tpu.memref_slice %arg8[%dma_start3A_65, %dma_start3A_66] : memref<10000x16xf32, #tpu.memory_space<vmem_shared>> -> memref<10000x16xf32, #tpu.memory_space<vmem_shared>>
    tpu.enqueue_indirect_dma source(%arg7 : memref<80x16xf32, #tpu.memory_space<vmem>>) target(%dma_start3A_67 : memref<10000x16xf32, #tpu.memory_space<vmem_shared>>) offsets(%dma_start3A_64 : memref<80xi32, #tpu.memory_space<vmem>>) semaphore(%arg9 : memref<!tpu.dma_semaphore, #tpu.memory_space<semaphore_mem>>) {add = true}
    %get3A_68 = arith.constant 1 : i32
    %get3A_69 = arith.index_cast %get3A_68 : i32 to index
    %get3A_70 = arith.constant 0 : index
    %get3A_71 = tpu.vector_load %arg5[%get3A_69, %get3A_70] {strides = array<i32>} : memref<125x80xi32, #tpu.memory_space<vmem>>, vector<1x16xi32>,
    %get3A_72 = vector.shape_cast %get3A_71 : vector<1x16xi32> to vector<16xi32>
    %swap3A_73 = arith.constant 1 : i32
    %swap3A_74 = arith.index_cast %swap3A_73 : i32 to index
    %swap3A_75 = arith.constant 0 : index
    %swap3A_76 = tpu.vector_load %arg6[%swap3A_74, %swap3A_75] {strides = array<i32>} : memref<5x80xi32, #tpu.memory_space<vmem>>, vector<1x16xi32>,
    %swap3A_77 = vector.shape_cast %swap3A_76 : vector<1x16xi32> to vector<16xi32>
    %swap3A_78 = vector.shape_cast %get3A_72 : vector<16xi32> to vector<1x16xi32>
    tpu.vector_store %arg6[%swap3A_74, %swap3A_75], %swap3A_78 {strides = array<i32>} : memref<5x80xi32, #tpu.memory_space<vmem>>, vector<1x16xi32>,
    %get3A_79 = arith.constant 1 : i32
    %get3A_80 = arith.index_cast %get3A_79 : i32 to index
    %get3A_81 = arith.constant 16 : index
    %get3A_82 = tpu.vector_load %arg5[%get3A_80, %get3A_81] {strides = array<i32>} : memref<125x80xi32, #tpu.memory_space<vmem>>, vector<1x16xi32>,
    %get3A_83 = vector.shape_cast %get3A_82 : vector<1x16xi32> to vector<16xi32>
    %swap3A_84 = arith.constant 1 : i32
    %swap3A_85 = arith.index_cast %swap3A_84 : i32 to index
    %swap3A_86 = arith.constant 16 : index
    %swap3A_87 = tpu.vector_load %arg6[%swap3A_85, %swap3A_86] {strides = array<i32>} : memref<5x80xi32, #tpu.memory_space<vmem>>, vector<1x16xi32>,
    %swap3A_88 = vector.shape_cast %swap3A_87 : vector<1x16xi32> to vector<16xi32>
    %swap3A_89 = vector.shape_cast %get3A_83 : vector<16xi32> to vector<1x16xi32>
    tpu.vector_store %arg6[%swap3A_85, %swap3A_86], %swap3A_89 {strides = array<i32>} : memref<5x80xi32, #tpu.memory_space<vmem>>, vector<1x16xi32>,
    %get3A_90 = arith.constant 1 : i32
    %get3A_91 = arith.index_cast %get3A_90 : i32 to index
    %get3A_92 = arith.constant 32 : index
    %get3A_93 = tpu.vector_load %arg5[%get3A_91, %get3A_92] {strides = array<i32>} : memref<125x80xi32, #tpu.memory_space<vmem>>, vector<1x16xi32>,
    %get3A_94 = vector.shape_cast %get3A_93 : vector<1x16xi32> to vector<16xi32>
    %swap3A_95 = arith.constant 1 : i32
    %swap3A_96 = arith.index_cast %swap3A_95 : i32 to index
    %swap3A_97 = arith.constant 32 : index
    %swap3A_98 = tpu.vector_load %arg6[%swap3A_96, %swap3A_97] {strides = array<i32>} : memref<5x80xi32, #tpu.memory_space<vmem>>, vector<1x16xi32>,
    %swap3A_99 = vector.shape_cast %swap3A_98 : vector<1x16xi32> to vector<16xi32>
    %swap3A_100 = vector.shape_cast %get3A_94 : vector<16xi32> to vector<1x16xi32>
    tpu.vector_store %arg6[%swap3A_96, %swap3A_97], %swap3A_100 {strides = array<i32>} : memref<5x80xi32, #tpu.memory_space<vmem>>, vector<1x16xi32>,
    %get3A_101 = arith.constant 1 : i32
    %get3A_102 = arith.index_cast %get3A_101 : i32 to index
    %get3A_103 = arith.constant 48 : index
    %get3A_104 = tpu.vector_load %arg5[%get3A_102, %get3A_103] {strides = array<i32>} : memref<125x80xi32, #tpu.memory_space<vmem>>, vector<1x16xi32>,
    %get3A_105 = vector.shape_cast %get3A_104 : vector<1x16xi32> to vector<16xi32>
    %swap3A_106 = arith.constant 1 : i32
    %swap3A_107 = arith.index_cast %swap3A_106 : i32 to index
    %swap3A_108 = arith.constant 48 : index
    %swap3A_109 = tpu.vector_load %arg6[%swap3A_107, %swap3A_108] {strides = array<i32>} : memref<5x80xi32, #tpu.memory_space<vmem>>, vector<1x16xi32>,
    %swap3A_110 = vector.shape_cast %swap3A_109 : vector<1x16xi32> to vector<16xi32>
    %swap3A_111 = vector.shape_cast %get3A_105 : vector<16xi32> to vector<1x16xi32>
    tpu.vector_store %arg6[%swap3A_107, %swap3A_108], %swap3A_111 {strides = array<i32>} : memref<5x80xi32, #tpu.memory_space<vmem>>, vector<1x16xi32>,
    %get3A_112 = arith.constant 1 : i32
    %get3A_113 = arith.index_cast %get3A_112 : i32 to index
    %get3A_114 = arith.constant 64 : index
    %get3A_115 = tpu.vector_load %arg5[%get3A_113, %get3A_114] {strides = array<i32>} : memref<125x80xi32, #tpu.memory_space<vmem>>, vector<1x16xi32>,
    %get3A_116 = vector.shape_cast %get3A_115 : vector<1x16xi32> to vector<16xi32>
    %swap3A_117 = arith.constant 1 : i32
    %swap3A_118 = arith.index_cast %swap3A_117 : i32 to index
    %swap3A_119 = arith.constant 64 : index
    %swap3A_120 = tpu.vector_load %arg6[%swap3A_118, %swap3A_119] {strides = array<i32>} : memref<5x80xi32, #tpu.memory_space<vmem>>, vector<1x16xi32>,
    %swap3A_121 = vector.shape_cast %swap3A_120 : vector<1x16xi32> to vector<16xi32>
    %swap3A_122 = vector.shape_cast %get3A_116 : vector<16xi32> to vector<1x16xi32>
    tpu.vector_store %arg6[%swap3A_118, %swap3A_119], %swap3A_122 {strides = array<i32>} : memref<5x80xi32, #tpu.memory_space<vmem>>, vector<1x16xi32>,
    %dma_start3A_123 = arith.constant 1 : i32
    %dma_start3A_124 = arith.constant 0 : i32
    %dma_start3A_125 = tpu.memref_slice %arg6[%dma_start3A_123, %dma_start3A_124] : memref<5x80xi32, #tpu.memory_space<vmem>> -> memref<1x80xi32, #tpu.memory_space<vmem>>
    %dma_start3A_126 = tpu.memref_squeeze %dma_start3A_125 : memref<1x80xi32, #tpu.memory_space<vmem>> -> memref<80xi32, #tpu.memory_space<vmem>>
    %dma_start3A_127 = arith.constant 0 : i32
    %dma_start3A_128 = arith.constant 0 : i32
    %dma_start3A_129 = tpu.memref_slice %arg8[%dma_start3A_127, %dma_start3A_128] : memref<10000x16xf32, #tpu.memory_space<vmem_shared>> -> memref<10000x16xf32, #tpu.memory_space<vmem_shared>>
    tpu.enqueue_indirect_dma source(%arg7 : memref<80x16xf32, #tpu.memory_space<vmem>>) target(%dma_start3A_129 : memref<10000x16xf32, #tpu.memory_space<vmem_shared>>) offsets(%dma_start3A_126 : memref<80xi32, #tpu.memory_space<vmem>>) semaphore(%arg10 : memref<!tpu.dma_semaphore, #tpu.memory_space<semaphore_mem>>) {add = true}
    %get3A_130 = arith.constant 2 : i32
    %get3A_131 = arith.index_cast %get3A_130 : i32 to index
    %get3A_132 = arith.constant 0 : index
    %get3A_133 = tpu.vector_load %arg5[%get3A_131, %get3A_132] {strides = array<i32>} : memref<125x80xi32, #tpu.memory_space<vmem>>, vector<1x16xi32>,
    %get3A_134 = vector.shape_cast %get3A_133 : vector<1x16xi32> to vector<16xi32>
    %swap3A_135 = arith.constant 2 : i32
    %swap3A_136 = arith.index_cast %swap3A_135 : i32 to index
    %swap3A_137 = arith.constant 0 : index
    %swap3A_138 = tpu.vector_load %arg6[%swap3A_136, %swap3A_137] {strides = array<i32>} : memref<5x80xi32, #tpu.memory_space<vmem>>, vector<1x16xi32>,
    %swap3A_139 = vector.shape_cast %swap3A_138 : vector<1x16xi32> to vector<16xi32>
    %swap3A_140 = vector.shape_cast %get3A_134 : vector<16xi32> to vector<1x16xi32>
    tpu.vector_store %arg6[%swap3A_136, %swap3A_137], %swap3A_140 {strides = array<i32>} : memref<5x80xi32, #tpu.memory_space<vmem>>, vector<1x16xi32>,
    %get3A_141 = arith.constant 2 : i32
    %get3A_142 = arith.index_cast %get3A_141 : i32 to index
    %get3A_143 = arith.constant 16 : index
    %get3A_144 = tpu.vector_load %arg5[%get3A_142, %get3A_143] {strides = array<i32>} : memref<125x80xi32, #tpu.memory_space<vmem>>, vector<1x16xi32>,
    %get3A_145 = vector.shape_cast %get3A_144 : vector<1x16xi32> to vector<16xi32>
    %swap3A_146 = arith.constant 2 : i32
    %swap3A_147 = arith.index_cast %swap3A_146 : i32 to index
    %swap3A_148 = arith.constant 16 : index
    %swap3A_149 = tpu.vector_load %arg6[%swap3A_147, %swap3A_148] {strides = array<i32>} : memref<5x80xi32, #tpu.memory_space<vmem>>, vector<1x16xi32>,
    %swap3A_150 = vector.shape_cast %swap3A_149 : vector<1x16xi32> to vector<16xi32>
    %swap3A_151 = vector.shape_cast %get3A_145 : vector<16xi32> to vector<1x16xi32>
    tpu.vector_store %arg6[%swap3A_147, %swap3A_148], %swap3A_151 {strides = array<i32>} : memref<5x80xi32, #tpu.memory_space<vmem>>, vector<1x16xi32>,
    %get3A_152 = arith.constant 2 : i32
    %get3A_153 = arith.index_cast %get3A_152 : i32 to index
    %get3A_154 = arith.constant 32 : index
    %get3A_155 = tpu.vector_load %arg5[%get3A_153, %get3A_154] {strides = array<i32>} : memref<125x80xi32, #tpu.memory_space<vmem>>, vector<1x16xi32>,
    %get3A_156 = vector.shape_cast %get3A_155 : vector<1x16xi32> to vector<16xi32>
    %swap3A_157 = arith.constant 2 : i32
    %swap3A_158 = arith.index_cast %swap3A_157 : i32 to index
    %swap3A_159 = arith.constant 32 : index
    %swap3A_160 = tpu.vector_load %arg6[%swap3A_158, %swap3A_159] {strides = array<i32>} : memref<5x80xi32, #tpu.memory_space<vmem>>, vector<1x16xi32>,
    %swap3A_161 = vector.shape_cast %swap3A_160 : vector<1x16xi32> to vector<16xi32>
    %swap3A_162 = vector.shape_cast %get3A_156 : vector<16xi32> to vector<1x16xi32>
    tpu.vector_store %arg6[%swap3A_158, %swap3A_159], %swap3A_162 {strides = array<i32>} : memref<5x80xi32, #tpu.memory_space<vmem>>, vector<1x16xi32>,
    %get3A_163 = arith.constant 2 : i32
    %get3A_164 = arith.index_cast %get3A_163 : i32 to index
    %get3A_165 = arith.constant 48 : index
    %get3A_166 = tpu.vector_load %arg5[%get3A_164, %get3A_165] {strides = array<i32>} : memref<125x80xi32, #tpu.memory_space<vmem>>, vector<1x16xi32>,
    %get3A_167 = vector.shape_cast %get3A_166 : vector<1x16xi32> to vector<16xi32>
    %swap3A_168 = arith.constant 2 : i32
    %swap3A_169 = arith.index_cast %swap3A_168 : i32 to index
    %swap3A_170 = arith.constant 48 : index
    %swap3A_171 = tpu.vector_load %arg6[%swap3A_169, %swap3A_170] {strides = array<i32>} : memref<5x80xi32, #tpu.memory_space<vmem>>, vector<1x16xi32>,
    %swap3A_172 = vector.shape_cast %swap3A_171 : vector<1x16xi32> to vector<16xi32>
    %swap3A_173 = vector.shape_cast %get3A_167 : vector<16xi32> to vector<1x16xi32>
    tpu.vector_store %arg6[%swap3A_169, %swap3A_170], %swap3A_173 {strides = array<i32>} : memref<5x80xi32, #tpu.memory_space<vmem>>, vector<1x16xi32>,
    %get3A_174 = arith.constant 2 : i32
    %get3A_175 = arith.index_cast %get3A_174 : i32 to index
    %get3A_176 = arith.constant 64 : index
    %get3A_177 = tpu.vector_load %arg5[%get3A_175, %get3A_176] {strides = array<i32>} : memref<125x80xi32, #tpu.memory_space<vmem>>, vector<1x16xi32>,
    %get3A_178 = vector.shape_cast %get3A_177 : vector<1x16xi32> to vector<16xi32>
    %swap3A_179 = arith.constant 2 : i32
    %swap3A_180 = arith.index_cast %swap3A_179 : i32 to index
    %swap3A_181 = arith.constant 64 : index
    %swap3A_182 = tpu.vector_load %arg6[%swap3A_180, %swap3A_181] {strides = array<i32>} : memref<5x80xi32, #tpu.memory_space<vmem>>, vector<1x16xi32>,
    %swap3A_183 = vector.shape_cast %swap3A_182 : vector<1x16xi32> to vector<16xi32>
    %swap3A_184 = vector.shape_cast %get3A_178 : vector<16xi32> to vector<1x16xi32>
    tpu.vector_store %arg6[%swap3A_180, %swap3A_181], %swap3A_184 {strides = array<i32>} : memref<5x80xi32, #tpu.memory_space<vmem>>, vector<1x16xi32>,
    %dma_start3A_185 = arith.constant 2 : i32
    %dma_start3A_186 = arith.constant 0 : i32
    %dma_start3A_187 = tpu.memref_slice %arg6[%dma_start3A_185, %dma_start3A_186] : memref<5x80xi32, #tpu.memory_space<vmem>> -> memref<1x80xi32, #tpu.memory_space<vmem>>
    %dma_start3A_188 = tpu.memref_squeeze %dma_start3A_187 : memref<1x80xi32, #tpu.memory_space<vmem>> -> memref<80xi32, #tpu.memory_space<vmem>>
    %dma_start3A_189 = arith.constant 0 : i32
    %dma_start3A_190 = arith.constant 0 : i32
    %dma_start3A_191 = tpu.memref_slice %arg8[%dma_start3A_189, %dma_start3A_190] : memref<10000x16xf32, #tpu.memory_space<vmem_shared>> -> memref<10000x16xf32, #tpu.memory_space<vmem_shared>>
    tpu.enqueue_indirect_dma source(%arg7 : memref<80x16xf32, #tpu.memory_space<vmem>>) target(%dma_start3A_191 : memref<10000x16xf32, #tpu.memory_space<vmem_shared>>) offsets(%dma_start3A_188 : memref<80xi32, #tpu.memory_space<vmem>>) semaphore(%arg11 : memref<!tpu.dma_semaphore, #tpu.memory_space<semaphore_mem>>) {add = true}
    %get3A_192 = arith.constant 3 : i32
    %get3A_193 = arith.index_cast %get3A_192 : i32 to index
    %get3A_194 = arith.constant 0 : index
    %get3A_195 = tpu.vector_load %arg5[%get3A_193, %get3A_194] {strides = array<i32>} : memref<125x80xi32, #tpu.memory_space<vmem>>, vector<1x16xi32>,
    %get3A_196 = vector.shape_cast %get3A_195 : vector<1x16xi32> to vector<16xi32>
    %swap3A_197 = arith.constant 3 : i32
    %swap3A_198 = arith.index_cast %swap3A_197 : i32 to index
    %swap3A_199 = arith.constant 0 : index
    %swap3A_200 = tpu.vector_load %arg6[%swap3A_198, %swap3A_199] {strides = array<i32>} : memref<5x80xi32, #tpu.memory_space<vmem>>, vector<1x16xi32>,
    %swap3A_201 = vector.shape_cast %swap3A_200 : vector<1x16xi32> to vector<16xi32>
    %swap3A_202 = vector.shape_cast %get3A_196 : vector<16xi32> to vector<1x16xi32>
    tpu.vector_store %arg6[%swap3A_198, %swap3A_199], %swap3A_202 {strides = array<i32>} : memref<5x80xi32, #tpu.memory_space<vmem>>, vector<1x16xi32>,
    %get3A_203 = arith.constant 3 : i32
    %get3A_204 = arith.index_cast %get3A_203 : i32 to index
    %get3A_205 = arith.constant 16 : index
    %get3A_206 = tpu.vector_load %arg5[%get3A_204, %get3A_205] {strides = array<i32>} : memref<125x80xi32, #tpu.memory_space<vmem>>, vector<1x16xi32>,
    %get3A_207 = vector.shape_cast %get3A_206 : vector<1x16xi32> to vector<16xi32>
    %swap3A_208 = arith.constant 3 : i32
    %swap3A_209 = arith.index_cast %swap3A_208 : i32 to index
    %swap3A_210 = arith.constant 16 : index
    %swap3A_211 = tpu.vector_load %arg6[%swap3A_209, %swap3A_210] {strides = array<i32>} : memref<5x80xi32, #tpu.memory_space<vmem>>, vector<1x16xi32>,
    %swap3A_212 = vector.shape_cast %swap3A_211 : vector<1x16xi32> to vector<16xi32>
    %swap3A_213 = vector.shape_cast %get3A_207 : vector<16xi32> to vector<1x16xi32>
    tpu.vector_store %arg6[%swap3A_209, %swap3A_210], %swap3A_213 {strides = array<i32>} : memref<5x80xi32, #tpu.memory_space<vmem>>, vector<1x16xi32>,
    %get3A_214 = arith.constant 3 : i32
    %get3A_215 = arith.index_cast %get3A_214 : i32 to index
    %get3A_216 = arith.constant 32 : index
    %get3A_217 = tpu.vector_load %arg5[%get3A_215, %get3A_216] {strides = array<i32>} : memref<125x80xi32, #tpu.memory_space<vmem>>, vector<1x16xi32>,
    %get3A_218 = vector.shape_cast %get3A_217 : vector<1x16xi32> to vector<16xi32>
    %swap3A_219 = arith.constant 3 : i32
    %swap3A_220 = arith.index_cast %swap3A_219 : i32 to index
    %swap3A_221 = arith.constant 32 : index
    %swap3A_222 = tpu.vector_load %arg6[%swap3A_220, %swap3A_221] {strides = array<i32>} : memref<5x80xi32, #tpu.memory_space<vmem>>, vector<1x16xi32>,
    %swap3A_223 = vector.shape_cast %swap3A_222 : vector<1x16xi32> to vector<16xi32>
    %swap3A_224 = vector.shape_cast %get3A_218 : vector<16xi32> to vector<1x16xi32>
    tpu.vector_store %arg6[%swap3A_220, %swap3A_221], %swap3A_224 {strides = array<i32>} : memref<5x80xi32, #tpu.memory_space<vmem>>, vector<1x16xi32>,
    %get3A_225 = arith.constant 3 : i32
    %get3A_226 = arith.index_cast %get3A_225 : i32 to index
    %get3A_227 = arith.constant 48 : index
    %get3A_228 = tpu.vector_load %arg5[%get3A_226, %get3A_227] {strides = array<i32>} : memref<125x80xi32, #tpu.memory_space<vmem>>, vector<1x16xi32>,
    %get3A_229 = vector.shape_cast %get3A_228 : vector<1x16xi32> to vector<16xi32>
    %swap3A_230 = arith.constant 3 : i32
    %swap3A_231 = arith.index_cast %swap3A_230 : i32 to index
    %swap3A_232 = arith.constant 48 : index
    %swap3A_233 = tpu.vector_load %arg6[%swap3A_231, %swap3A_232] {strides = array<i32>} : memref<5x80xi32, #tpu.memory_space<vmem>>, vector<1x16xi32>,
    %swap3A_234 = vector.shape_cast %swap3A_233 : vector<1x16xi32> to vector<16xi32>
    %swap3A_235 = vector.shape_cast %get3A_229 : vector<16xi32> to vector<1x16xi32>
    tpu.vector_store %arg6[%swap3A_231, %swap3A_232], %swap3A_235 {strides = array<i32>} : memref<5x80xi32, #tpu.memory_space<vmem>>, vector<1x16xi32>,
    %get3A_236 = arith.constant 3 : i32
    %get3A_237 = arith.index_cast %get3A_236 : i32 to index
    %get3A_238 = arith.constant 64 : index
    %get3A_239 = tpu.vector_load %arg5[%get3A_237, %get3A_238] {strides = array<i32>} : memref<125x80xi32, #tpu.memory_space<vmem>>, vector<1x16xi32>,
    %get3A_240 = vector.shape_cast %get3A_239 : vector<1x16xi32> to vector<16xi32>
    %swap3A_241 = arith.constant 3 : i32
    %swap3A_242 = arith.index_cast %swap3A_241 : i32 to index
    %swap3A_243 = arith.constant 64 : index
    %swap3A_244 = tpu.vector_load %arg6[%swap3A_242, %swap3A_243] {strides = array<i32>} : memref<5x80xi32, #tpu.memory_space<vmem>>, vector<1x16xi32>,
    %swap3A_245 = vector.shape_cast %swap3A_244 : vector<1x16xi32> to vector<16xi32>
    %swap3A_246 = vector.shape_cast %get3A_240 : vector<16xi32> to vector<1x16xi32>
    tpu.vector_store %arg6[%swap3A_242, %swap3A_243], %swap3A_246 {strides = array<i32>} : memref<5x80xi32, #tpu.memory_space<vmem>>, vector<1x16xi32>,
    %dma_start3A_247 = arith.constant 3 : i32
    %dma_start3A_248 = arith.constant 0 : i32
    %dma_start3A_249 = tpu.memref_slice %arg6[%dma_start3A_247, %dma_start3A_248] : memref<5x80xi32, #tpu.memory_space<vmem>> -> memref<1x80xi32, #tpu.memory_space<vmem>>
    %dma_start3A_250 = tpu.memref_squeeze %dma_start3A_249 : memref<1x80xi32, #tpu.memory_space<vmem>> -> memref<80xi32, #tpu.memory_space<vmem>>
    %dma_start3A_251 = arith.constant 0 : i32
    %dma_start3A_252 = arith.constant 0 : i32
    %dma_start3A_253 = tpu.memref_slice %arg8[%dma_start3A_251, %dma_start3A_252] : memref<10000x16xf32, #tpu.memory_space<vmem_shared>> -> memref<10000x16xf32, #tpu.memory_space<vmem_shared>>
    tpu.enqueue_indirect_dma source(%arg7 : memref<80x16xf32, #tpu.memory_space<vmem>>) target(%dma_start3A_253 : memref<10000x16xf32, #tpu.memory_space<vmem_shared>>) offsets(%dma_start3A_250 : memref<80xi32, #tpu.memory_space<vmem>>) semaphore(%arg12 : memref<!tpu.dma_semaphore, #tpu.memory_space<semaphore_mem>>) {add = true}
    %scan3A_254 = arith.constant 0 : i32
    %scan3A_255 = arith.constant 25 : i32
    %scan3A_256 = arith.addi %scan3A_254, %scan3A_255 : i32
    %scan3A_257 = arith.constant 1 : i32
    scf.for %scan3A_303 = %scan3A_254 to %scan3A_256 step %scan3A_257  : i32 {
      %mul3A_304 = arith.constant 5 : i32
      %mul3A_305 = arith.muli %scan3A_303, %mul3A_304 : i32
      %add3A_306 = arith.constant 0 : i32
      %add3A_307 = arith.addi %add3A_306, %mul3A_305 : i32
      %add3A_308 = arith.constant 0 : i32
      %add3A_309 = arith.addi %add3A_307, %add3A_308 : i32
      %add3A_310 = arith.constant 4 : i32
      %add3A_311 = arith.addi %add3A_309, %add3A_310 : i32
      %lt3A = arith.constant 125 : i32
      %lt3A_312 = arith.cmpi slt, %add3A_311, %lt3A : i32
      %convert_element_type3A_313 = arith.extui %lt3A_312 : i1 to i32
      %cond3A_314 = arith.constant 0 : i32
      %cond3A_315 = arith.cmpi ne, %convert_element_type3A_313, %cond3A_314 : i32
      scf.if %cond3A_315 {
        %ge3A = arith.constant 1 : i32
        %ge3A_352 = arith.cmpi sge, %add3A_309, %ge3A : i32
        %convert_element_type3A_353 = arith.extui %ge3A_352 : i1 to i32
        %cond3A_354 = arith.constant 0 : i32
        %cond3A_355 = arith.cmpi ne, %convert_element_type3A_353, %cond3A_354 : i32
        scf.if %cond3A_355 {
          %dma_wait3A_415 = arith.constant 4 : i32
          %dma_wait3A_416 = arith.constant 0 : i32
          %dma_wait3A_417 = tpu.memref_slice %arg6[%dma_wait3A_415, %dma_wait3A_416] : memref<5x80xi32, #tpu.memory_space<vmem>> -> memref<1x80xi32, #tpu.memory_space<vmem>>
          %dma_wait3A_418 = tpu.memref_squeeze %dma_wait3A_417 : memref<1x80xi32, #tpu.memory_space<vmem>> -> memref<80xi32, #tpu.memory_space<vmem>>
          %dma_wait3A_419 = arith.constant 0 : i32
          %dma_wait3A_420 = arith.constant 0 : i32
          %dma_wait3A_421 = tpu.memref_slice %arg8[%dma_wait3A_419, %dma_wait3A_420] : memref<10000x16xf32, #tpu.memory_space<vmem_shared>> -> memref<10000x16xf32, #tpu.memory_space<vmem_shared>>
          tpu.wait_indirect_dma semaphore(%arg13 : memref<!tpu.dma_semaphore, #tpu.memory_space<semaphore_mem>>) src(%arg7 : memref<80x16xf32, #tpu.memory_space<vmem>>) dst(%dma_wait3A_421 : memref<10000x16xf32, #tpu.memory_space<vmem_shared>>)
        } else {
        }
        %add3A_356 = arith.constant 4 : i32
        %add3A_357 = arith.addi %add3A_309, %add3A_356 : i32
        %get3A_358 = arith.index_cast %add3A_357 : i32 to index
        %get3A_359 = arith.constant 0 : index
        %get3A_360 = tpu.vector_load %arg5[%get3A_358, %get3A_359] {strides = array<i32>} : memref<125x80xi32, #tpu.memory_space<vmem>>, vector<1x16xi32>,
        %get3A_361 = vector.shape_cast %get3A_360 : vector<1x16xi32> to vector<16xi32>
        %swap3A_362 = arith.constant 4 : i32
        %swap3A_363 = arith.index_cast %swap3A_362 : i32 to index
        %swap3A_364 = arith.constant 0 : index
        %swap3A_365 = tpu.vector_load %arg6[%swap3A_363, %swap3A_364] {strides = array<i32>} : memref<5x80xi32, #tpu.memory_space<vmem>>, vector<1x16xi32>,
        %swap3A_366 = vector.shape_cast %swap3A_365 : vector<1x16xi32> to vector<16xi32>
        %swap3A_367 = vector.shape_cast %get3A_361 : vector<16xi32> to vector<1x16xi32>
        tpu.vector_store %arg6[%swap3A_363, %swap3A_364], %swap3A_367 {strides = array<i32>} : memref<5x80xi32, #tpu.memory_space<vmem>>, vector<1x16xi32>,
        %get3A_368 = arith.index_cast %add3A_357 : i32 to index
        %get3A_369 = arith.constant 16 : index
        %get3A_370 = tpu.vector_load %arg5[%get3A_368, %get3A_369] {strides = array<i32>} : memref<125x80xi32, #tpu.memory_space<vmem>>, vector<1x16xi32>,
        %get3A_371 = vector.shape_cast %get3A_370 : vector<1x16xi32> to vector<16xi32>
        %swap3A_372 = arith.constant 4 : i32
        %swap3A_373 = arith.index_cast %swap3A_372 : i32 to index
        %swap3A_374 = arith.constant 16 : index
        %swap3A_375 = tpu.vector_load %arg6[%swap3A_373, %swap3A_374] {strides = array<i32>} : memref<5x80xi32, #tpu.memory_space<vmem>>, vector<1x16xi32>,
        %swap3A_376 = vector.shape_cast %swap3A_375 : vector<1x16xi32> to vector<16xi32>
        %swap3A_377 = vector.shape_cast %get3A_371 : vector<16xi32> to vector<1x16xi32>
        tpu.vector_store %arg6[%swap3A_373, %swap3A_374], %swap3A_377 {strides = array<i32>} : memref<5x80xi32, #tpu.memory_space<vmem>>, vector<1x16xi32>,
        %get3A_378 = arith.index_cast %add3A_357 : i32 to index
        %get3A_379 = arith.constant 32 : index
        %get3A_380 = tpu.vector_load %arg5[%get3A_378, %get3A_379] {strides = array<i32>} : memref<125x80xi32, #tpu.memory_space<vmem>>, vector<1x16xi32>,
        %get3A_381 = vector.shape_cast %get3A_380 : vector<1x16xi32> to vector<16xi32>
        %swap3A_382 = arith.constant 4 : i32
        %swap3A_383 = arith.index_cast %swap3A_382 : i32 to index
        %swap3A_384 = arith.constant 32 : index
        %swap3A_385 = tpu.vector_load %arg6[%swap3A_383, %swap3A_384] {strides = array<i32>} : memref<5x80xi32, #tpu.memory_space<vmem>>, vector<1x16xi32>,
        %swap3A_386 = vector.shape_cast %swap3A_385 : vector<1x16xi32> to vector<16xi32>
        %swap3A_387 = vector.shape_cast %get3A_381 : vector<16xi32> to vector<1x16xi32>
        tpu.vector_store %arg6[%swap3A_383, %swap3A_384], %swap3A_387 {strides = array<i32>} : memref<5x80xi32, #tpu.memory_space<vmem>>, vector<1x16xi32>,
        %get3A_388 = arith.index_cast %add3A_357 : i32 to index
        %get3A_389 = arith.constant 48 : index
        %get3A_390 = tpu.vector_load %arg5[%get3A_388, %get3A_389] {strides = array<i32>} : memref<125x80xi32, #tpu.memory_space<vmem>>, vector<1x16xi32>,
        %get3A_391 = vector.shape_cast %get3A_390 : vector<1x16xi32> to vector<16xi32>
        %swap3A_392 = arith.constant 4 : i32
        %swap3A_393 = arith.index_cast %swap3A_392 : i32 to index
        %swap3A_394 = arith.constant 48 : index
        %swap3A_395 = tpu.vector_load %arg6[%swap3A_393, %swap3A_394] {strides = array<i32>} : memref<5x80xi32, #tpu.memory_space<vmem>>, vector<1x16xi32>,
        %swap3A_396 = vector.shape_cast %swap3A_395 : vector<1x16xi32> to vector<16xi32>
        %swap3A_397 = vector.shape_cast %get3A_391 : vector<16xi32> to vector<1x16xi32>
        tpu.vector_store %arg6[%swap3A_393, %swap3A_394], %swap3A_397 {strides = array<i32>} : memref<5x80xi32, #tpu.memory_space<vmem>>, vector<1x16xi32>,
        %get3A_398 = arith.index_cast %add3A_357 : i32 to index
        %get3A_399 = arith.constant 64 : index
        %get3A_400 = tpu.vector_load %arg5[%get3A_398, %get3A_399] {strides = array<i32>} : memref<125x80xi32, #tpu.memory_space<vmem>>, vector<1x16xi32>,
        %get3A_401 = vector.shape_cast %get3A_400 : vector<1x16xi32> to vector<16xi32>
        %swap3A_402 = arith.constant 4 : i32
        %swap3A_403 = arith.index_cast %swap3A_402 : i32 to index
        %swap3A_404 = arith.constant 64 : index
        %swap3A_405 = tpu.vector_load %arg6[%swap3A_403, %swap3A_404] {strides = array<i32>} : memref<5x80xi32, #tpu.memory_space<vmem>>, vector<1x16xi32>,
        %swap3A_406 = vector.shape_cast %swap3A_405 : vector<1x16xi32> to vector<16xi32>
        %swap3A_407 = vector.shape_cast %get3A_401 : vector<16xi32> to vector<1x16xi32>
        tpu.vector_store %arg6[%swap3A_403, %swap3A_404], %swap3A_407 {strides = array<i32>} : memref<5x80xi32, #tpu.memory_space<vmem>>, vector<1x16xi32>,
        %dma_start3A_408 = arith.constant 4 : i32
        %dma_start3A_409 = arith.constant 0 : i32
        %dma_start3A_410 = tpu.memref_slice %arg6[%dma_start3A_408, %dma_start3A_409] : memref<5x80xi32, #tpu.memory_space<vmem>> -> memref<1x80xi32, #tpu.memory_space<vmem>>
        %dma_start3A_411 = tpu.memref_squeeze %dma_start3A_410 : memref<1x80xi32, #tpu.memory_space<vmem>> -> memref<80xi32, #tpu.memory_space<vmem>>
        %dma_start3A_412 = arith.constant 0 : i32
        %dma_start3A_413 = arith.constant 0 : i32
        %dma_start3A_414 = tpu.memref_slice %arg8[%dma_start3A_412, %dma_start3A_413] : memref<10000x16xf32, #tpu.memory_space<vmem_shared>> -> memref<10000x16xf32, #tpu.memory_space<vmem_shared>>
        tpu.enqueue_indirect_dma source(%arg7 : memref<80x16xf32, #tpu.memory_space<vmem>>) target(%dma_start3A_414 : memref<10000x16xf32, #tpu.memory_space<vmem_shared>>) offsets(%dma_start3A_411 : memref<80xi32, #tpu.memory_space<vmem>>) semaphore(%arg13 : memref<!tpu.dma_semaphore, #tpu.memory_space<semaphore_mem>>) {add = true}
      } else {
      }
      %add3A_316 = arith.constant 1 : i32
      %add3A_317 = arith.addi %add3A_307, %add3A_316 : i32
      %add3A_318 = arith.constant 4 : i32
      %add3A_319 = arith.addi %add3A_317, %add3A_318 : i32
      %lt3A_320 = arith.constant 125 : i32
      %lt3A_321 = arith.cmpi slt, %add3A_319, %lt3A_320 : i32
      %convert_element_type3A_322 = arith.extui %lt3A_321 : i1 to i32
      %cond3A_323 = arith.constant 0 : i32
      %cond3A_324 = arith.cmpi ne, %convert_element_type3A_322, %cond3A_323 : i32
      scf.if %cond3A_324 {
        %dma_wait3A_352 = arith.constant 0 : i32
        %dma_wait3A_353 = arith.constant 0 : i32
        %dma_wait3A_354 = tpu.memref_slice %arg6[%dma_wait3A_352, %dma_wait3A_353] : memref<5x80xi32, #tpu.memory_space<vmem>> -> memref<1x80xi32, #tpu.memory_space<vmem>>
        %dma_wait3A_355 = tpu.memref_squeeze %dma_wait3A_354 : memref<1x80xi32, #tpu.memory_space<vmem>> -> memref<80xi32, #tpu.memory_space<vmem>>
        %dma_wait3A_356 = arith.constant 0 : i32
        %dma_wait3A_357 = arith.constant 0 : i32
        %dma_wait3A_358 = tpu.memref_slice %arg8[%dma_wait3A_356, %dma_wait3A_357] : memref<10000x16xf32, #tpu.memory_space<vmem_shared>> -> memref<10000x16xf32, #tpu.memory_space<vmem_shared>>
        tpu.wait_indirect_dma semaphore(%arg9 : memref<!tpu.dma_semaphore, #tpu.memory_space<semaphore_mem>>) src(%arg7 : memref<80x16xf32, #tpu.memory_space<vmem>>) dst(%dma_wait3A_358 : memref<10000x16xf32, #tpu.memory_space<vmem_shared>>)
        %add3A_359 = arith.constant 4 : i32
        %add3A_360 = arith.addi %add3A_317, %add3A_359 : i32
        %get3A_361 = arith.index_cast %add3A_360 : i32 to index
        %get3A_362 = arith.constant 0 : index
        %get3A_363 = tpu.vector_load %arg5[%get3A_361, %get3A_362] {strides = array<i32>} : memref<125x80xi32, #tpu.memory_space<vmem>>, vector<1x16xi32>,
        %get3A_364 = vector.shape_cast %get3A_363 : vector<1x16xi32> to vector<16xi32>
        %swap3A_365 = arith.constant 0 : i32
        %swap3A_366 = arith.index_cast %swap3A_365 : i32 to index
        %swap3A_367 = arith.constant 0 : index
        %swap3A_368 = tpu.vector_load %arg6[%swap3A_366, %swap3A_367] {strides = array<i32>} : memref<5x80xi32, #tpu.memory_space<vmem>>, vector<1x16xi32>,
        %swap3A_369 = vector.shape_cast %swap3A_368 : vector<1x16xi32> to vector<16xi32>
        %swap3A_370 = vector.shape_cast %get3A_364 : vector<16xi32> to vector<1x16xi32>
        tpu.vector_store %arg6[%swap3A_366, %swap3A_367], %swap3A_370 {strides = array<i32>} : memref<5x80xi32, #tpu.memory_space<vmem>>, vector<1x16xi32>,
        %get3A_371 = arith.index_cast %add3A_360 : i32 to index
        %get3A_372 = arith.constant 16 : index
        %get3A_373 = tpu.vector_load %arg5[%get3A_371, %get3A_372] {strides = array<i32>} : memref<125x80xi32, #tpu.memory_space<vmem>>, vector<1x16xi32>,
        %get3A_374 = vector.shape_cast %get3A_373 : vector<1x16xi32> to vector<16xi32>
        %swap3A_375 = arith.constant 0 : i32
        %swap3A_376 = arith.index_cast %swap3A_375 : i32 to index
        %swap3A_377 = arith.constant 16 : index
        %swap3A_378 = tpu.vector_load %arg6[%swap3A_376, %swap3A_377] {strides = array<i32>} : memref<5x80xi32, #tpu.memory_space<vmem>>, vector<1x16xi32>,
        %swap3A_379 = vector.shape_cast %swap3A_378 : vector<1x16xi32> to vector<16xi32>
        %swap3A_380 = vector.shape_cast %get3A_374 : vector<16xi32> to vector<1x16xi32>
        tpu.vector_store %arg6[%swap3A_376, %swap3A_377], %swap3A_380 {strides = array<i32>} : memref<5x80xi32, #tpu.memory_space<vmem>>, vector<1x16xi32>,
        %get3A_381 = arith.index_cast %add3A_360 : i32 to index
        %get3A_382 = arith.constant 32 : index
        %get3A_383 = tpu.vector_load %arg5[%get3A_381, %get3A_382] {strides = array<i32>} : memref<125x80xi32, #tpu.memory_space<vmem>>, vector<1x16xi32>,
        %get3A_384 = vector.shape_cast %get3A_383 : vector<1x16xi32> to vector<16xi32>
        %swap3A_385 = arith.constant 0 : i32
        %swap3A_386 = arith.index_cast %swap3A_385 : i32 to index
        %swap3A_387 = arith.constant 32 : index
        %swap3A_388 = tpu.vector_load %arg6[%swap3A_386, %swap3A_387] {strides = array<i32>} : memref<5x80xi32, #tpu.memory_space<vmem>>, vector<1x16xi32>,
        %swap3A_389 = vector.shape_cast %swap3A_388 : vector<1x16xi32> to vector<16xi32>
        %swap3A_390 = vector.shape_cast %get3A_384 : vector<16xi32> to vector<1x16xi32>
        tpu.vector_store %arg6[%swap3A_386, %swap3A_387], %swap3A_390 {strides = array<i32>} : memref<5x80xi32, #tpu.memory_space<vmem>>, vector<1x16xi32>,
        %get3A_391 = arith.index_cast %add3A_360 : i32 to index
        %get3A_392 = arith.constant 48 : index
        %get3A_393 = tpu.vector_load %arg5[%get3A_391, %get3A_392] {strides = array<i32>} : memref<125x80xi32, #tpu.memory_space<vmem>>, vector<1x16xi32>,
        %get3A_394 = vector.shape_cast %get3A_393 : vector<1x16xi32> to vector<16xi32>
        %swap3A_395 = arith.constant 0 : i32
        %swap3A_396 = arith.index_cast %swap3A_395 : i32 to index
        %swap3A_397 = arith.constant 48 : index
        %swap3A_398 = tpu.vector_load %arg6[%swap3A_396, %swap3A_397] {strides = array<i32>} : memref<5x80xi32, #tpu.memory_space<vmem>>, vector<1x16xi32>,
        %swap3A_399 = vector.shape_cast %swap3A_398 : vector<1x16xi32> to vector<16xi32>
        %swap3A_400 = vector.shape_cast %get3A_394 : vector<16xi32> to vector<1x16xi32>
        tpu.vector_store %arg6[%swap3A_396, %swap3A_397], %swap3A_400 {strides = array<i32>} : memref<5x80xi32, #tpu.memory_space<vmem>>, vector<1x16xi32>,
        %get3A_401 = arith.index_cast %add3A_360 : i32 to index
        %get3A_402 = arith.constant 64 : index
        %get3A_403 = tpu.vector_load %arg5[%get3A_401, %get3A_402] {strides = array<i32>} : memref<125x80xi32, #tpu.memory_space<vmem>>, vector<1x16xi32>,
        %get3A_404 = vector.shape_cast %get3A_403 : vector<1x16xi32> to vector<16xi32>
        %swap3A_405 = arith.constant 0 : i32
        %swap3A_406 = arith.index_cast %swap3A_405 : i32 to index
        %swap3A_407 = arith.constant 64 : index
        %swap3A_408 = tpu.vector_load %arg6[%swap3A_406, %swap3A_407] {strides = array<i32>} : memref<5x80xi32, #tpu.memory_space<vmem>>, vector<1x16xi32>,
        %swap3A_409 = vector.shape_cast %swap3A_408 : vector<1x16xi32> to vector<16xi32>
        %swap3A_410 = vector.shape_cast %get3A_404 : vector<16xi32> to vector<1x16xi32>
        tpu.vector_store %arg6[%swap3A_406, %swap3A_407], %swap3A_410 {strides = array<i32>} : memref<5x80xi32, #tpu.memory_space<vmem>>, vector<1x16xi32>,
        %dma_start3A_411 = arith.constant 0 : i32
        %dma_start3A_412 = arith.constant 0 : i32
        %dma_start3A_413 = tpu.memref_slice %arg6[%dma_start3A_411, %dma_start3A_412] : memref<5x80xi32, #tpu.memory_space<vmem>> -> memref<1x80xi32, #tpu.memory_space<vmem>>
        %dma_start3A_414 = tpu.memref_squeeze %dma_start3A_413 : memref<1x80xi32, #tpu.memory_space<vmem>> -> memref<80xi32, #tpu.memory_space<vmem>>
        %dma_start3A_415 = arith.constant 0 : i32
        %dma_start3A_416 = arith.constant 0 : i32
        %dma_start3A_417 = tpu.memref_slice %arg8[%dma_start3A_415, %dma_start3A_416] : memref<10000x16xf32, #tpu.memory_space<vmem_shared>> -> memref<10000x16xf32, #tpu.memory_space<vmem_shared>>
        tpu.enqueue_indirect_dma source(%arg7 : memref<80x16xf32, #tpu.memory_space<vmem>>) target(%dma_start3A_417 : memref<10000x16xf32, #tpu.memory_space<vmem_shared>>) offsets(%dma_start3A_414 : memref<80xi32, #tpu.memory_space<vmem>>) semaphore(%arg9 : memref<!tpu.dma_semaphore, #tpu.memory_space<semaphore_mem>>) {add = true}
      } else {
      }
      %add3A_325 = arith.constant 2 : i32
      %add3A_326 = arith.addi %add3A_307, %add3A_325 : i32
      %add3A_327 = arith.constant 4 : i32
      %add3A_328 = arith.addi %add3A_326, %add3A_327 : i32
      %lt3A_329 = arith.constant 125 : i32
      %lt3A_330 = arith.cmpi slt, %add3A_328, %lt3A_329 : i32
      %convert_element_type3A_331 = arith.extui %lt3A_330 : i1 to i32
      %cond3A_332 = arith.constant 0 : i32
      %cond3A_333 = arith.cmpi ne, %convert_element_type3A_331, %cond3A_332 : i32
      scf.if %cond3A_333 {
        %dma_wait3A_352 = arith.constant 1 : i32
        %dma_wait3A_353 = arith.constant 0 : i32
        %dma_wait3A_354 = tpu.memref_slice %arg6[%dma_wait3A_352, %dma_wait3A_353] : memref<5x80xi32, #tpu.memory_space<vmem>> -> memref<1x80xi32, #tpu.memory_space<vmem>>
        %dma_wait3A_355 = tpu.memref_squeeze %dma_wait3A_354 : memref<1x80xi32, #tpu.memory_space<vmem>> -> memref<80xi32, #tpu.memory_space<vmem>>
        %dma_wait3A_356 = arith.constant 0 : i32
        %dma_wait3A_357 = arith.constant 0 : i32
        %dma_wait3A_358 = tpu.memref_slice %arg8[%dma_wait3A_356, %dma_wait3A_357] : memref<10000x16xf32, #tpu.memory_space<vmem_shared>> -> memref<10000x16xf32, #tpu.memory_space<vmem_shared>>
        tpu.wait_indirect_dma semaphore(%arg10 : memref<!tpu.dma_semaphore, #tpu.memory_space<semaphore_mem>>) src(%arg7 : memref<80x16xf32, #tpu.memory_space<vmem>>) dst(%dma_wait3A_358 : memref<10000x16xf32, #tpu.memory_space<vmem_shared>>)
        %add3A_359 = arith.constant 4 : i32
        %add3A_360 = arith.addi %add3A_326, %add3A_359 : i32
        %get3A_361 = arith.index_cast %add3A_360 : i32 to index
        %get3A_362 = arith.constant 0 : index
        %get3A_363 = tpu.vector_load %arg5[%get3A_361, %get3A_362] {strides = array<i32>} : memref<125x80xi32, #tpu.memory_space<vmem>>, vector<1x16xi32>,
        %get3A_364 = vector.shape_cast %get3A_363 : vector<1x16xi32> to vector<16xi32>
        %swap3A_365 = arith.constant 1 : i32
        %swap3A_366 = arith.index_cast %swap3A_365 : i32 to index
        %swap3A_367 = arith.constant 0 : index
        %swap3A_368 = tpu.vector_load %arg6[%swap3A_366, %swap3A_367] {strides = array<i32>} : memref<5x80xi32, #tpu.memory_space<vmem>>, vector<1x16xi32>,
        %swap3A_369 = vector.shape_cast %swap3A_368 : vector<1x16xi32> to vector<16xi32>
        %swap3A_370 = vector.shape_cast %get3A_364 : vector<16xi32> to vector<1x16xi32>
        tpu.vector_store %arg6[%swap3A_366, %swap3A_367], %swap3A_370 {strides = array<i32>} : memref<5x80xi32, #tpu.memory_space<vmem>>, vector<1x16xi32>,
        %get3A_371 = arith.index_cast %add3A_360 : i32 to index
        %get3A_372 = arith.constant 16 : index
        %get3A_373 = tpu.vector_load %arg5[%get3A_371, %get3A_372] {strides = array<i32>} : memref<125x80xi32, #tpu.memory_space<vmem>>, vector<1x16xi32>,
        %get3A_374 = vector.shape_cast %get3A_373 : vector<1x16xi32> to vector<16xi32>
        %swap3A_375 = arith.constant 1 : i32
        %swap3A_376 = arith.index_cast %swap3A_375 : i32 to index
        %swap3A_377 = arith.constant 16 : index
        %swap3A_378 = tpu.vector_load %arg6[%swap3A_376, %swap3A_377] {strides = array<i32>} : memref<5x80xi32, #tpu.memory_space<vmem>>, vector<1x16xi32>,
        %swap3A_379 = vector.shape_cast %swap3A_378 : vector<1x16xi32> to vector<16xi32>
        %swap3A_380 = vector.shape_cast %get3A_374 : vector<16xi32> to vector<1x16xi32>
        tpu.vector_store %arg6[%swap3A_376, %swap3A_377], %swap3A_380 {strides = array<i32>} : memref<5x80xi32, #tpu.memory_space<vmem>>, vector<1x16xi32>,
        %get3A_381 = arith.index_cast %add3A_360 : i32 to index
        %get3A_382 = arith.constant 32 : index
        %get3A_383 = tpu.vector_load %arg5[%get3A_381, %get3A_382] {strides = array<i32>} : memref<125x80xi32, #tpu.memory_space<vmem>>, vector<1x16xi32>,
        %get3A_384 = vector.shape_cast %get3A_383 : vector<1x16xi32> to vector<16xi32>
        %swap3A_385 = arith.constant 1 : i32
        %swap3A_386 = arith.index_cast %swap3A_385 : i32 to index
        %swap3A_387 = arith.constant 32 : index
        %swap3A_388 = tpu.vector_load %arg6[%swap3A_386, %swap3A_387] {strides = array<i32>} : memref<5x80xi32, #tpu.memory_space<vmem>>, vector<1x16xi32>,
        %swap3A_389 = vector.shape_cast %swap3A_388 : vector<1x16xi32> to vector<16xi32>
        %swap3A_390 = vector.shape_cast %get3A_384 : vector<16xi32> to vector<1x16xi32>
        tpu.vector_store %arg6[%swap3A_386, %swap3A_387], %swap3A_390 {strides = array<i32>} : memref<5x80xi32, #tpu.memory_space<vmem>>, vector<1x16xi32>,
        %get3A_391 = arith.index_cast %add3A_360 : i32 to index
        %get3A_392 = arith.constant 48 : index
        %get3A_393 = tpu.vector_load %arg5[%get3A_391, %get3A_392] {strides = array<i32>} : memref<125x80xi32, #tpu.memory_space<vmem>>, vector<1x16xi32>,
        %get3A_394 = vector.shape_cast %get3A_393 : vector<1x16xi32> to vector<16xi32>
        %swap3A_395 = arith.constant 1 : i32
        %swap3A_396 = arith.index_cast %swap3A_395 : i32 to index
        %swap3A_397 = arith.constant 48 : index
        %swap3A_398 = tpu.vector_load %arg6[%swap3A_396, %swap3A_397] {strides = array<i32>} : memref<5x80xi32, #tpu.memory_space<vmem>>, vector<1x16xi32>,
        %swap3A_399 = vector.shape_cast %swap3A_398 : vector<1x16xi32> to vector<16xi32>
        %swap3A_400 = vector.shape_cast %get3A_394 : vector<16xi32> to vector<1x16xi32>
        tpu.vector_store %arg6[%swap3A_396, %swap3A_397], %swap3A_400 {strides = array<i32>} : memref<5x80xi32, #tpu.memory_space<vmem>>, vector<1x16xi32>,
        %get3A_401 = arith.index_cast %add3A_360 : i32 to index
        %get3A_402 = arith.constant 64 : index
        %get3A_403 = tpu.vector_load %arg5[%get3A_401, %get3A_402] {strides = array<i32>} : memref<125x80xi32, #tpu.memory_space<vmem>>, vector<1x16xi32>,
        %get3A_404 = vector.shape_cast %get3A_403 : vector<1x16xi32> to vector<16xi32>
        %swap3A_405 = arith.constant 1 : i32
        %swap3A_406 = arith.index_cast %swap3A_405 : i32 to index
        %swap3A_407 = arith.constant 64 : index
        %swap3A_408 = tpu.vector_load %arg6[%swap3A_406, %swap3A_407] {strides = array<i32>} : memref<5x80xi32, #tpu.memory_space<vmem>>, vector<1x16xi32>,
        %swap3A_409 = vector.shape_cast %swap3A_408 : vector<1x16xi32> to vector<16xi32>
        %swap3A_410 = vector.shape_cast %get3A_404 : vector<16xi32> to vector<1x16xi32>
        tpu.vector_store %arg6[%swap3A_406, %swap3A_407], %swap3A_410 {strides = array<i32>} : memref<5x80xi32, #tpu.memory_space<vmem>>, vector<1x16xi32>,
        %dma_start3A_411 = arith.constant 1 : i32
        %dma_start3A_412 = arith.constant 0 : i32
        %dma_start3A_413 = tpu.memref_slice %arg6[%dma_start3A_411, %dma_start3A_412] : memref<5x80xi32, #tpu.memory_space<vmem>> -> memref<1x80xi32, #tpu.memory_space<vmem>>
        %dma_start3A_414 = tpu.memref_squeeze %dma_start3A_413 : memref<1x80xi32, #tpu.memory_space<vmem>> -> memref<80xi32, #tpu.memory_space<vmem>>
        %dma_start3A_415 = arith.constant 0 : i32
        %dma_start3A_416 = arith.constant 0 : i32
        %dma_start3A_417 = tpu.memref_slice %arg8[%dma_start3A_415, %dma_start3A_416] : memref<10000x16xf32, #tpu.memory_space<vmem_shared>> -> memref<10000x16xf32, #tpu.memory_space<vmem_shared>>
        tpu.enqueue_indirect_dma source(%arg7 : memref<80x16xf32, #tpu.memory_space<vmem>>) target(%dma_start3A_417 : memref<10000x16xf32, #tpu.memory_space<vmem_shared>>) offsets(%dma_start3A_414 : memref<80xi32, #tpu.memory_space<vmem>>) semaphore(%arg10 : memref<!tpu.dma_semaphore, #tpu.memory_space<semaphore_mem>>) {add = true}
      } else {
      }
      %add3A_334 = arith.constant 3 : i32
      %add3A_335 = arith.addi %add3A_307, %add3A_334 : i32
      %add3A_336 = arith.constant 4 : i32
      %add3A_337 = arith.addi %add3A_335, %add3A_336 : i32
      %lt3A_338 = arith.constant 125 : i32
      %lt3A_339 = arith.cmpi slt, %add3A_337, %lt3A_338 : i32
      %convert_element_type3A_340 = arith.extui %lt3A_339 : i1 to i32
      %cond3A_341 = arith.constant 0 : i32
      %cond3A_342 = arith.cmpi ne, %convert_element_type3A_340, %cond3A_341 : i32
      scf.if %cond3A_342 {
        %dma_wait3A_352 = arith.constant 2 : i32
        %dma_wait3A_353 = arith.constant 0 : i32
        %dma_wait3A_354 = tpu.memref_slice %arg6[%dma_wait3A_352, %dma_wait3A_353] : memref<5x80xi32, #tpu.memory_space<vmem>> -> memref<1x80xi32, #tpu.memory_space<vmem>>
        %dma_wait3A_355 = tpu.memref_squeeze %dma_wait3A_354 : memref<1x80xi32, #tpu.memory_space<vmem>> -> memref<80xi32, #tpu.memory_space<vmem>>
        %dma_wait3A_356 = arith.constant 0 : i32
        %dma_wait3A_357 = arith.constant 0 : i32
        %dma_wait3A_358 = tpu.memref_slice %arg8[%dma_wait3A_356, %dma_wait3A_357] : memref<10000x16xf32, #tpu.memory_space<vmem_shared>> -> memref<10000x16xf32, #tpu.memory_space<vmem_shared>>
        tpu.wait_indirect_dma semaphore(%arg11 : memref<!tpu.dma_semaphore, #tpu.memory_space<semaphore_mem>>) src(%arg7 : memref<80x16xf32, #tpu.memory_space<vmem>>) dst(%dma_wait3A_358 : memref<10000x16xf32, #tpu.memory_space<vmem_shared>>)
        %add3A_359 = arith.constant 4 : i32
        %add3A_360 = arith.addi %add3A_335, %add3A_359 : i32
        %get3A_361 = arith.index_cast %add3A_360 : i32 to index
        %get3A_362 = arith.constant 0 : index
        %get3A_363 = tpu.vector_load %arg5[%get3A_361, %get3A_362] {strides = array<i32>} : memref<125x80xi32, #tpu.memory_space<vmem>>, vector<1x16xi32>,
        %get3A_364 = vector.shape_cast %get3A_363 : vector<1x16xi32> to vector<16xi32>
        %swap3A_365 = arith.constant 2 : i32
        %swap3A_366 = arith.index_cast %swap3A_365 : i32 to index
        %swap3A_367 = arith.constant 0 : index
        %swap3A_368 = tpu.vector_load %arg6[%swap3A_366, %swap3A_367] {strides = array<i32>} : memref<5x80xi32, #tpu.memory_space<vmem>>, vector<1x16xi32>,
        %swap3A_369 = vector.shape_cast %swap3A_368 : vector<1x16xi32> to vector<16xi32>
        %swap3A_370 = vector.shape_cast %get3A_364 : vector<16xi32> to vector<1x16xi32>
        tpu.vector_store %arg6[%swap3A_366, %swap3A_367], %swap3A_370 {strides = array<i32>} : memref<5x80xi32, #tpu.memory_space<vmem>>, vector<1x16xi32>,
        %get3A_371 = arith.index_cast %add3A_360 : i32 to index
        %get3A_372 = arith.constant 16 : index
        %get3A_373 = tpu.vector_load %arg5[%get3A_371, %get3A_372] {strides = array<i32>} : memref<125x80xi32, #tpu.memory_space<vmem>>, vector<1x16xi32>,
        %get3A_374 = vector.shape_cast %get3A_373 : vector<1x16xi32> to vector<16xi32>
        %swap3A_375 = arith.constant 2 : i32
        %swap3A_376 = arith.index_cast %swap3A_375 : i32 to index
        %swap3A_377 = arith.constant 16 : index
        %swap3A_378 = tpu.vector_load %arg6[%swap3A_376, %swap3A_377] {strides = array<i32>} : memref<5x80xi32, #tpu.memory_space<vmem>>, vector<1x16xi32>,
        %swap3A_379 = vector.shape_cast %swap3A_378 : vector<1x16xi32> to vector<16xi32>
        %swap3A_380 = vector.shape_cast %get3A_374 : vector<16xi32> to vector<1x16xi32>
        tpu.vector_store %arg6[%swap3A_376, %swap3A_377], %swap3A_380 {strides = array<i32>} : memref<5x80xi32, #tpu.memory_space<vmem>>, vector<1x16xi32>,
        %get3A_381 = arith.index_cast %add3A_360 : i32 to index
        %get3A_382 = arith.constant 32 : index
        %get3A_383 = tpu.vector_load %arg5[%get3A_381, %get3A_382] {strides = array<i32>} : memref<125x80xi32, #tpu.memory_space<vmem>>, vector<1x16xi32>,
        %get3A_384 = vector.shape_cast %get3A_383 : vector<1x16xi32> to vector<16xi32>
        %swap3A_385 = arith.constant 2 : i32
        %swap3A_386 = arith.index_cast %swap3A_385 : i32 to index
        %swap3A_387 = arith.constant 32 : index
        %swap3A_388 = tpu.vector_load %arg6[%swap3A_386, %swap3A_387] {strides = array<i32>} : memref<5x80xi32, #tpu.memory_space<vmem>>, vector<1x16xi32>,
        %swap3A_389 = vector.shape_cast %swap3A_388 : vector<1x16xi32> to vector<16xi32>
        %swap3A_390 = vector.shape_cast %get3A_384 : vector<16xi32> to vector<1x16xi32>
        tpu.vector_store %arg6[%swap3A_386, %swap3A_387], %swap3A_390 {strides = array<i32>} : memref<5x80xi32, #tpu.memory_space<vmem>>, vector<1x16xi32>,
        %get3A_391 = arith.index_cast %add3A_360 : i32 to index
        %get3A_392 = arith.constant 48 : index
        %get3A_393 = tpu.vector_load %arg5[%get3A_391, %get3A_392] {strides = array<i32>} : memref<125x80xi32, #tpu.memory_space<vmem>>, vector<1x16xi32>,
        %get3A_394 = vector.shape_cast %get3A_393 : vector<1x16xi32> to vector<16xi32>
        %swap3A_395 = arith.constant 2 : i32
        %swap3A_396 = arith.index_cast %swap3A_395 : i32 to index
        %swap3A_397 = arith.constant 48 : index
        %swap3A_398 = tpu.vector_load %arg6[%swap3A_396, %swap3A_397] {strides = array<i32>} : memref<5x80xi32, #tpu.memory_space<vmem>>, vector<1x16xi32>,
        %swap3A_399 = vector.shape_cast %swap3A_398 : vector<1x16xi32> to vector<16xi32>
        %swap3A_400 = vector.shape_cast %get3A_394 : vector<16xi32> to vector<1x16xi32>
        tpu.vector_store %arg6[%swap3A_396, %swap3A_397], %swap3A_400 {strides = array<i32>} : memref<5x80xi32, #tpu.memory_space<vmem>>, vector<1x16xi32>,
        %get3A_401 = arith.index_cast %add3A_360 : i32 to index
        %get3A_402 = arith.constant 64 : index
        %get3A_403 = tpu.vector_load %arg5[%get3A_401, %get3A_402] {strides = array<i32>} : memref<125x80xi32, #tpu.memory_space<vmem>>, vector<1x16xi32>,
        %get3A_404 = vector.shape_cast %get3A_403 : vector<1x16xi32> to vector<16xi32>
        %swap3A_405 = arith.constant 2 : i32
        %swap3A_406 = arith.index_cast %swap3A_405 : i32 to index
        %swap3A_407 = arith.constant 64 : index
        %swap3A_408 = tpu.vector_load %arg6[%swap3A_406, %swap3A_407] {strides = array<i32>} : memref<5x80xi32, #tpu.memory_space<vmem>>, vector<1x16xi32>,
        %swap3A_409 = vector.shape_cast %swap3A_408 : vector<1x16xi32> to vector<16xi32>
        %swap3A_410 = vector.shape_cast %get3A_404 : vector<16xi32> to vector<1x16xi32>
        tpu.vector_store %arg6[%swap3A_406, %swap3A_407], %swap3A_410 {strides = array<i32>} : memref<5x80xi32, #tpu.memory_space<vmem>>, vector<1x16xi32>,
        %dma_start3A_411 = arith.constant 2 : i32
        %dma_start3A_412 = arith.constant 0 : i32
        %dma_start3A_413 = tpu.memref_slice %arg6[%dma_start3A_411, %dma_start3A_412] : memref<5x80xi32, #tpu.memory_space<vmem>> -> memref<1x80xi32, #tpu.memory_space<vmem>>
        %dma_start3A_414 = tpu.memref_squeeze %dma_start3A_413 : memref<1x80xi32, #tpu.memory_space<vmem>> -> memref<80xi32, #tpu.memory_space<vmem>>
        %dma_start3A_415 = arith.constant 0 : i32
        %dma_start3A_416 = arith.constant 0 : i32
        %dma_start3A_417 = tpu.memref_slice %arg8[%dma_start3A_415, %dma_start3A_416] : memref<10000x16xf32, #tpu.memory_space<vmem_shared>> -> memref<10000x16xf32, #tpu.memory_space<vmem_shared>>
        tpu.enqueue_indirect_dma source(%arg7 : memref<80x16xf32, #tpu.memory_space<vmem>>) target(%dma_start3A_417 : memref<10000x16xf32, #tpu.memory_space<vmem_shared>>) offsets(%dma_start3A_414 : memref<80xi32, #tpu.memory_space<vmem>>) semaphore(%arg11 : memref<!tpu.dma_semaphore, #tpu.memory_space<semaphore_mem>>) {add = true}
      } else {
      }
      %add3A_343 = arith.constant 4 : i32
      %add3A_344 = arith.addi %add3A_307, %add3A_343 : i32
      %add3A_345 = arith.constant 4 : i32
      %add3A_346 = arith.addi %add3A_344, %add3A_345 : i32
      %lt3A_347 = arith.constant 125 : i32
      %lt3A_348 = arith.cmpi slt, %add3A_346, %lt3A_347 : i32
      %convert_element_type3A_349 = arith.extui %lt3A_348 : i1 to i32
      %cond3A_350 = arith.constant 0 : i32
      %cond3A_351 = arith.cmpi ne, %convert_element_type3A_349, %cond3A_350 : i32
      scf.if %cond3A_351 {
        %dma_wait3A_352 = arith.constant 3 : i32
        %dma_wait3A_353 = arith.constant 0 : i32
        %dma_wait3A_354 = tpu.memref_slice %arg6[%dma_wait3A_352, %dma_wait3A_353] : memref<5x80xi32, #tpu.memory_space<vmem>> -> memref<1x80xi32, #tpu.memory_space<vmem>>
        %dma_wait3A_355 = tpu.memref_squeeze %dma_wait3A_354 : memref<1x80xi32, #tpu.memory_space<vmem>> -> memref<80xi32, #tpu.memory_space<vmem>>
        %dma_wait3A_356 = arith.constant 0 : i32
        %dma_wait3A_357 = arith.constant 0 : i32
        %dma_wait3A_358 = tpu.memref_slice %arg8[%dma_wait3A_356, %dma_wait3A_357] : memref<10000x16xf32, #tpu.memory_space<vmem_shared>> -> memref<10000x16xf32, #tpu.memory_space<vmem_shared>>
        tpu.wait_indirect_dma semaphore(%arg12 : memref<!tpu.dma_semaphore, #tpu.memory_space<semaphore_mem>>) src(%arg7 : memref<80x16xf32, #tpu.memory_space<vmem>>) dst(%dma_wait3A_358 : memref<10000x16xf32, #tpu.memory_space<vmem_shared>>)
        %add3A_359 = arith.constant 4 : i32
        %add3A_360 = arith.addi %add3A_344, %add3A_359 : i32
        %get3A_361 = arith.index_cast %add3A_360 : i32 to index
        %get3A_362 = arith.constant 0 : index
        %get3A_363 = tpu.vector_load %arg5[%get3A_361, %get3A_362] {strides = array<i32>} : memref<125x80xi32, #tpu.memory_space<vmem>>, vector<1x16xi32>,
        %get3A_364 = vector.shape_cast %get3A_363 : vector<1x16xi32> to vector<16xi32>
        %swap3A_365 = arith.constant 3 : i32
        %swap3A_366 = arith.index_cast %swap3A_365 : i32 to index
        %swap3A_367 = arith.constant 0 : index
        %swap3A_368 = tpu.vector_load %arg6[%swap3A_366, %swap3A_367] {strides = array<i32>} : memref<5x80xi32, #tpu.memory_space<vmem>>, vector<1x16xi32>,
        %swap3A_369 = vector.shape_cast %swap3A_368 : vector<1x16xi32> to vector<16xi32>
        %swap3A_370 = vector.shape_cast %get3A_364 : vector<16xi32> to vector<1x16xi32>
        tpu.vector_store %arg6[%swap3A_366, %swap3A_367], %swap3A_370 {strides = array<i32>} : memref<5x80xi32, #tpu.memory_space<vmem>>, vector<1x16xi32>,
        %get3A_371 = arith.index_cast %add3A_360 : i32 to index
        %get3A_372 = arith.constant 16 : index
        %get3A_373 = tpu.vector_load %arg5[%get3A_371, %get3A_372] {strides = array<i32>} : memref<125x80xi32, #tpu.memory_space<vmem>>, vector<1x16xi32>,
        %get3A_374 = vector.shape_cast %get3A_373 : vector<1x16xi32> to vector<16xi32>
        %swap3A_375 = arith.constant 3 : i32
        %swap3A_376 = arith.index_cast %swap3A_375 : i32 to index
        %swap3A_377 = arith.constant 16 : index
        %swap3A_378 = tpu.vector_load %arg6[%swap3A_376, %swap3A_377] {strides = array<i32>} : memref<5x80xi32, #tpu.memory_space<vmem>>, vector<1x16xi32>,
        %swap3A_379 = vector.shape_cast %swap3A_378 : vector<1x16xi32> to vector<16xi32>
        %swap3A_380 = vector.shape_cast %get3A_374 : vector<16xi32> to vector<1x16xi32>
        tpu.vector_store %arg6[%swap3A_376, %swap3A_377], %swap3A_380 {strides = array<i32>} : memref<5x80xi32, #tpu.memory_space<vmem>>, vector<1x16xi32>,
        %get3A_381 = arith.index_cast %add3A_360 : i32 to index
        %get3A_382 = arith.constant 32 : index
        %get3A_383 = tpu.vector_load %arg5[%get3A_381, %get3A_382] {strides = array<i32>} : memref<125x80xi32, #tpu.memory_space<vmem>>, vector<1x16xi32>,
        %get3A_384 = vector.shape_cast %get3A_383 : vector<1x16xi32> to vector<16xi32>
        %swap3A_385 = arith.constant 3 : i32
        %swap3A_386 = arith.index_cast %swap3A_385 : i32 to index
        %swap3A_387 = arith.constant 32 : index
        %swap3A_388 = tpu.vector_load %arg6[%swap3A_386, %swap3A_387] {strides = array<i32>} : memref<5x80xi32, #tpu.memory_space<vmem>>, vector<1x16xi32>,
        %swap3A_389 = vector.shape_cast %swap3A_388 : vector<1x16xi32> to vector<16xi32>
        %swap3A_390 = vector.shape_cast %get3A_384 : vector<16xi32> to vector<1x16xi32>
        tpu.vector_store %arg6[%swap3A_386, %swap3A_387], %swap3A_390 {strides = array<i32>} : memref<5x80xi32, #tpu.memory_space<vmem>>, vector<1x16xi32>,
        %get3A_391 = arith.index_cast %add3A_360 : i32 to index
        %get3A_392 = arith.constant 48 : index
        %get3A_393 = tpu.vector_load %arg5[%get3A_391, %get3A_392] {strides = array<i32>} : memref<125x80xi32, #tpu.memory_space<vmem>>, vector<1x16xi32>,
        %get3A_394 = vector.shape_cast %get3A_393 : vector<1x16xi32> to vector<16xi32>
        %swap3A_395 = arith.constant 3 : i32
        %swap3A_396 = arith.index_cast %swap3A_395 : i32 to index
        %swap3A_397 = arith.constant 48 : index
        %swap3A_398 = tpu.vector_load %arg6[%swap3A_396, %swap3A_397] {strides = array<i32>} : memref<5x80xi32, #tpu.memory_space<vmem>>, vector<1x16xi32>,
        %swap3A_399 = vector.shape_cast %swap3A_398 : vector<1x16xi32> to vector<16xi32>
        %swap3A_400 = vector.shape_cast %get3A_394 : vector<16xi32> to vector<1x16xi32>
        tpu.vector_store %arg6[%swap3A_396, %swap3A_397], %swap3A_400 {strides = array<i32>} : memref<5x80xi32, #tpu.memory_space<vmem>>, vector<1x16xi32>,
        %get3A_401 = arith.index_cast %add3A_360 : i32 to index
        %get3A_402 = arith.constant 64 : index
        %get3A_403 = tpu.vector_load %arg5[%get3A_401, %get3A_402] {strides = array<i32>} : memref<125x80xi32, #tpu.memory_space<vmem>>, vector<1x16xi32>,
        %get3A_404 = vector.shape_cast %get3A_403 : vector<1x16xi32> to vector<16xi32>
        %swap3A_405 = arith.constant 3 : i32
        %swap3A_406 = arith.index_cast %swap3A_405 : i32 to index
        %swap3A_407 = arith.constant 64 : index
        %swap3A_408 = tpu.vector_load %arg6[%swap3A_406, %swap3A_407] {strides = array<i32>} : memref<5x80xi32, #tpu.memory_space<vmem>>, vector<1x16xi32>,
        %swap3A_409 = vector.shape_cast %swap3A_408 : vector<1x16xi32> to vector<16xi32>
        %swap3A_410 = vector.shape_cast %get3A_404 : vector<16xi32> to vector<1x16xi32>
        tpu.vector_store %arg6[%swap3A_406, %swap3A_407], %swap3A_410 {strides = array<i32>} : memref<5x80xi32, #tpu.memory_space<vmem>>, vector<1x16xi32>,
        %dma_start3A_411 = arith.constant 3 : i32
        %dma_start3A_412 = arith.constant 0 : i32
        %dma_start3A_413 = tpu.memref_slice %arg6[%dma_start3A_411, %dma_start3A_412] : memref<5x80xi32, #tpu.memory_space<vmem>> -> memref<1x80xi32, #tpu.memory_space<vmem>>
        %dma_start3A_414 = tpu.memref_squeeze %dma_start3A_413 : memref<1x80xi32, #tpu.memory_space<vmem>> -> memref<80xi32, #tpu.memory_space<vmem>>
        %dma_start3A_415 = arith.constant 0 : i32
        %dma_start3A_416 = arith.constant 0 : i32
        %dma_start3A_417 = tpu.memref_slice %arg8[%dma_start3A_415, %dma_start3A_416] : memref<10000x16xf32, #tpu.memory_space<vmem_shared>> -> memref<10000x16xf32, #tpu.memory_space<vmem_shared>>
        tpu.enqueue_indirect_dma source(%arg7 : memref<80x16xf32, #tpu.memory_space<vmem>>) target(%dma_start3A_417 : memref<10000x16xf32, #tpu.memory_space<vmem_shared>>) offsets(%dma_start3A_414 : memref<80xi32, #tpu.memory_space<vmem>>) semaphore(%arg12 : memref<!tpu.dma_semaphore, #tpu.memory_space<semaphore_mem>>) {add = true}
      } else {
      }
    }
    %scan3A_258 = arith.constant 25 : i32
    %dma_wait3A = arith.constant 0 : i32
    %dma_wait3A_259 = arith.constant 0 : i32
    %dma_wait3A_260 = tpu.memref_slice %arg6[%dma_wait3A, %dma_wait3A_259] : memref<5x80xi32, #tpu.memory_space<vmem>> -> memref<1x80xi32, #tpu.memory_space<vmem>>
    %dma_wait3A_261 = tpu.memref_squeeze %dma_wait3A_260 : memref<1x80xi32, #tpu.memory_space<vmem>> -> memref<80xi32, #tpu.memory_space<vmem>>
    %dma_wait3A_262 = arith.constant 0 : i32
    %dma_wait3A_263 = arith.constant 0 : i32
    %dma_wait3A_264 = tpu.memref_slice %arg8[%dma_wait3A_262, %dma_wait3A_263] : memref<10000x16xf32, #tpu.memory_space<vmem_shared>> -> memref<10000x16xf32, #tpu.memory_space<vmem_shared>>
    tpu.wait_indirect_dma semaphore(%arg9 : memref<!tpu.dma_semaphore, #tpu.memory_space<semaphore_mem>>) src(%arg7 : memref<80x16xf32, #tpu.memory_space<vmem>>) dst(%dma_wait3A_264 : memref<10000x16xf32, #tpu.memory_space<vmem_shared>>)
    %dma_wait3A_265 = arith.constant 1 : i32
    %dma_wait3A_266 = arith.constant 0 : i32
    %dma_wait3A_267 = tpu.memref_slice %arg6[%dma_wait3A_265, %dma_wait3A_266] : memref<5x80xi32, #tpu.memory_space<vmem>> -> memref<1x80xi32, #tpu.memory_space<vmem>>
    %dma_wait3A_268 = tpu.memref_squeeze %dma_wait3A_267 : memref<1x80xi32, #tpu.memory_space<vmem>> -> memref<80xi32, #tpu.memory_space<vmem>>
    %dma_wait3A_269 = arith.constant 0 : i32
    %dma_wait3A_270 = arith.constant 0 : i32
    %dma_wait3A_271 = tpu.memref_slice %arg8[%dma_wait3A_269, %dma_wait3A_270] : memref<10000x16xf32, #tpu.memory_space<vmem_shared>> -> memref<10000x16xf32, #tpu.memory_space<vmem_shared>>
    tpu.wait_indirect_dma semaphore(%arg10 : memref<!tpu.dma_semaphore, #tpu.memory_space<semaphore_mem>>) src(%arg7 : memref<80x16xf32, #tpu.memory_space<vmem>>) dst(%dma_wait3A_271 : memref<10000x16xf32, #tpu.memory_space<vmem_shared>>)
    %dma_wait3A_272 = arith.constant 2 : i32
    %dma_wait3A_273 = arith.constant 0 : i32
    %dma_wait3A_274 = tpu.memref_slice %arg6[%dma_wait3A_272, %dma_wait3A_273] : memref<5x80xi32, #tpu.memory_space<vmem>> -> memref<1x80xi32, #tpu.memory_space<vmem>>
    %dma_wait3A_275 = tpu.memref_squeeze %dma_wait3A_274 : memref<1x80xi32, #tpu.memory_space<vmem>> -> memref<80xi32, #tpu.memory_space<vmem>>
    %dma_wait3A_276 = arith.constant 0 : i32
    %dma_wait3A_277 = arith.constant 0 : i32
    %dma_wait3A_278 = tpu.memref_slice %arg8[%dma_wait3A_276, %dma_wait3A_277] : memref<10000x16xf32, #tpu.memory_space<vmem_shared>> -> memref<10000x16xf32, #tpu.memory_space<vmem_shared>>
    tpu.wait_indirect_dma semaphore(%arg11 : memref<!tpu.dma_semaphore, #tpu.memory_space<semaphore_mem>>) src(%arg7 : memref<80x16xf32, #tpu.memory_space<vmem>>) dst(%dma_wait3A_278 : memref<10000x16xf32, #tpu.memory_space<vmem_shared>>)
    %dma_wait3A_279 = arith.constant 3 : i32
    %dma_wait3A_280 = arith.constant 0 : i32
    %dma_wait3A_281 = tpu.memref_slice %arg6[%dma_wait3A_279, %dma_wait3A_280] : memref<5x80xi32, #tpu.memory_space<vmem>> -> memref<1x80xi32, #tpu.memory_space<vmem>>
    %dma_wait3A_282 = tpu.memref_squeeze %dma_wait3A_281 : memref<1x80xi32, #tpu.memory_space<vmem>> -> memref<80xi32, #tpu.memory_space<vmem>>
    %dma_wait3A_283 = arith.constant 0 : i32
    %dma_wait3A_284 = arith.constant 0 : i32
    %dma_wait3A_285 = tpu.memref_slice %arg8[%dma_wait3A_283, %dma_wait3A_284] : memref<10000x16xf32, #tpu.memory_space<vmem_shared>> -> memref<10000x16xf32, #tpu.memory_space<vmem_shared>>
    tpu.wait_indirect_dma semaphore(%arg12 : memref<!tpu.dma_semaphore, #tpu.memory_space<semaphore_mem>>) src(%arg7 : memref<80x16xf32, #tpu.memory_space<vmem>>) dst(%dma_wait3A_285 : memref<10000x16xf32, #tpu.memory_space<vmem_shared>>)
    %dma_wait3A_286 = arith.constant 4 : i32
    %dma_wait3A_287 = arith.constant 0 : i32
    %dma_wait3A_288 = tpu.memref_slice %arg6[%dma_wait3A_286, %dma_wait3A_287] : memref<5x80xi32, #tpu.memory_space<vmem>> -> memref<1x80xi32, #tpu.memory_space<vmem>>
    %dma_wait3A_289 = tpu.memref_squeeze %dma_wait3A_288 : memref<1x80xi32, #tpu.memory_space<vmem>> -> memref<80xi32, #tpu.memory_space<vmem>>
    %dma_wait3A_290 = arith.constant 0 : i32
    %dma_wait3A_291 = arith.constant 0 : i32
    %dma_wait3A_292 = tpu.memref_slice %arg8[%dma_wait3A_290, %dma_wait3A_291] : memref<10000x16xf32, #tpu.memory_space<vmem_shared>> -> memref<10000x16xf32, #tpu.memory_space<vmem_shared>>
    tpu.wait_indirect_dma semaphore(%arg13 : memref<!tpu.dma_semaphore, #tpu.memory_space<semaphore_mem>>) src(%arg7 : memref<80x16xf32, #tpu.memory_space<vmem>>) dst(%dma_wait3A_292 : memref<10000x16xf32, #tpu.memory_space<vmem_shared>>)
    %barrier3A_293 = arith.constant 0 : index
    tpu.barrier barrier_id(%barrier3A_293)
    %mul3A_294 = arith.constant 624 : i32
    %mul3A_295 = arith.muli %arg1, %mul3A_294 : i32
    %mul3A_296 = arith.constant 624 : i32
    %mul3A_297 = arith.muli %arg1, %mul3A_296 : i32
    "tpu.region"() ({
      %run_scoped3A = tpu.sem_alloc : memref<!tpu.dma_semaphore, #tpu.memory_space<semaphore_mem>>
      %dma_start3A_303 = arith.constant 0 : i32
      %dma_start3A_304 = tpu.memref_slice %arg4[%arg0, %mul3A_297, %dma_start3A_303] : memref<2x10000x16xf32, #tpu.memory_space<hbm>> -> memref<1x624x16xf32, #tpu.memory_space<hbm>>
      %dma_start3A_305 = tpu.memref_squeeze %dma_start3A_304 : memref<1x624x16xf32, #tpu.memory_space<hbm>> -> memref<624x16xf32, #tpu.memory_space<hbm>>
      %dma_start3A_306 = arith.constant 0 : i32
      %dma_start3A_307 = tpu.memref_slice %arg8[%mul3A_295, %dma_start3A_306] : memref<10000x16xf32, #tpu.memory_space<vmem_shared>> -> memref<624x16xf32, #tpu.memory_space<vmem_shared>>
      tpu.enqueue_dma source(%dma_start3A_307 : memref<624x16xf32, #tpu.memory_space<vmem_shared>>) target(%dma_start3A_305 : memref<624x16xf32, #tpu.memory_space<hbm>>) target_semaphore(%run_scoped3A : memref<!tpu.dma_semaphore, #tpu.memory_space<semaphore_mem>>)
      %dma_wait3A_308 = arith.constant 0 : i32
      %dma_wait3A_309 = tpu.memref_slice %arg4[%arg0, %mul3A_297, %dma_wait3A_308] : memref<2x10000x16xf32, #tpu.memory_space<hbm>> -> memref<1x624x16xf32, #tpu.memory_space<hbm>>
      %dma_wait3A_310 = tpu.memref_squeeze %dma_wait3A_309 : memref<1x624x16xf32, #tpu.memory_space<hbm>> -> memref<624x16xf32, #tpu.memory_space<hbm>>
      %dma_wait3A_311 = arith.constant 0 : i32
      %dma_wait3A_312 = tpu.memref_slice %arg8[%mul3A_295, %dma_wait3A_311] : memref<10000x16xf32, #tpu.memory_space<vmem_shared>> -> memref<624x16xf32, #tpu.memory_space<vmem_shared>>
      tpu.wait_dma2 semaphore(%run_scoped3A : memref<!tpu.dma_semaphore, #tpu.memory_space<semaphore_mem>>) src(%dma_wait3A_312 : memref<624x16xf32, #tpu.memory_space<vmem_shared>>) dst(%dma_wait3A_310 : memref<624x16xf32, #tpu.memory_space<hbm>>)
      tpu.yield
    }) : () -> ()
    %eq3A_298 = arith.constant 0 : i32
    %eq3A_299 = arith.cmpi eq, %arg1, %eq3A_298 : i32
    %convert_element_type3A_300 = arith.extui %eq3A_299 : i1 to i32
    %cond3A_301 = arith.constant 0 : i32
    %cond3A_302 = arith.cmpi ne, %convert_element_type3A_300, %cond3A_301 : i32
    scf.if %cond3A_302 {
      "tpu.region"() ({
        %run_scoped3A = tpu.sem_alloc : memref<!tpu.dma_semaphore, #tpu.memory_space<semaphore_mem>>
        %dma_start3A_303 = arith.constant 9984 : i32
        %dma_start3A_304 = arith.constant 0 : i32
        %dma_start3A_305 = tpu.memref_slice %arg4[%arg0, %dma_start3A_303, %dma_start3A_304] : memref<2x10000x16xf32, #tpu.memory_space<hbm>> -> memref<1x16x16xf32, #tpu.memory_space<hbm>>
        %dma_start3A_306 = tpu.memref_squeeze %dma_start3A_305 : memref<1x16x16xf32, #tpu.memory_space<hbm>> -> memref<16x16xf32, #tpu.memory_space<hbm>>
        %dma_start3A_307 = arith.constant 9984 : i32
        %dma_start3A_308 = arith.constant 0 : i32
        %dma_start3A_309 = tpu.memref_slice %arg8[%dma_start3A_307, %dma_start3A_308] : memref<10000x16xf32, #tpu.memory_space<vmem_shared>> -> memref<16x16xf32, #tpu.memory_space<vmem_shared>>
        tpu.enqueue_dma source(%dma_start3A_309 : memref<16x16xf32, #tpu.memory_space<vmem_shared>>) target(%dma_start3A_306 : memref<16x16xf32, #tpu.memory_space<hbm>>) target_semaphore(%run_scoped3A : memref<!tpu.dma_semaphore, #tpu.memory_space<semaphore_mem>>)
        %dma_wait3A_310 = arith.constant 9984 : i32
        %dma_wait3A_311 = arith.constant 0 : i32
        %dma_wait3A_312 = tpu.memref_slice %arg4[%arg0, %dma_wait3A_310, %dma_wait3A_311] : memref<2x10000x16xf32, #tpu.memory_space<hbm>> -> memref<1x16x16xf32, #tpu.memory_space<hbm>>
        %dma_wait3A_313 = tpu.memref_squeeze %dma_wait3A_312 : memref<1x16x16xf32, #tpu.memory_space<hbm>> -> memref<16x16xf32, #tpu.memory_space<hbm>>
        %dma_wait3A_314 = arith.constant 9984 : i32
        %dma_wait3A_315 = arith.constant 0 : i32
        %dma_wait3A_316 = tpu.memref_slice %arg8[%dma_wait3A_314, %dma_wait3A_315] : memref<10000x16xf32, #tpu.memory_space<vmem_shared>> -> memref<16x16xf32, #tpu.memory_space<vmem_shared>>
        tpu.wait_dma2 semaphore(%run_scoped3A : memref<!tpu.dma_semaphore, #tpu.memory_space<semaphore_mem>>) src(%dma_wait3A_316 : memref<16x16xf32, #tpu.memory_space<vmem_shared>>) dst(%dma_wait3A_313 : memref<16x16xf32, #tpu.memory_space<hbm>>)
        tpu.yield
      }) : () -> ()
    } else {
    }
    return
  }
}

</mosaic_0001>

<sc_bundles>
// kernel: _sc_degree.3.cloned.1.call-start
scs
__scs_entry_jumppad:
0x0: {  	(pc) =	sbr.rel $0x88, $3  }
0x1: {  	(tag) =	ssettag $0x0;
	lr =	simm.s32 $0x1  }
0x2: {  	[smem:$0x3F9F] =	sst lr;
	_ =	strace $0xD0000000  }
0x3: {  	_ = 	snop  }
0x4: {  	_ = 	snop  }
0x5: {  	_ = 	snop  }
0x6: {  	_ = 	snop  }
0x7: {  	_ = 	snop  }
__scs_overlays_trampoline_lowered:
0x8: {  	[smem:$0x3FAE] =	sst s0  }
0x9: {  	[smem:$0x3FAF] =	sst s1  }
0xa: {  	[smem:$0x3FB0] =	sst s2  }
0xb: {  	[smem:$0x3FB1] =	sst s3  }
0xc: {  	[smem:$0x3FB2] =	sst s4  }
0xd: {  	[smem:$0x3FB3] =	sst s5  }
0xe: {  	[smem:$0x3FB4] =	sst s6  }
0xf: {  	[smem:$0x3FB5] =	sst s7  }
0x10: {  	[smem:$0x3FB6] =	sst s8  }
0x11: {  	[smem:$0x3FB7] =	sst s9;
	s0 =	simm.s32 @!p0 $0x0  }
0x12: {  	s1 =	sld [smem:$0x3F9D];
	s0 =	simm.s32 @p0 $0x1  }
0x13: {  	[smem:$0x3FB8] =	sst s0;
	s0 =	simm.s32 @!p1 $0x0  }
0x14: {  	s2 =	sld [smem:$0x3F9C];
	s0 =	simm.s32 @p1 $0x1  }
0x15: {  	[smem:$0x3FB9] =	sst s0;
	s0 =	simm.s32 @!p2 $0x0  }
0x16: {  	s3 =	sld [smem:$0x3FDB];
	s0 =	simm.s32 @p2 $0x1  }
0x17: {  	s4 =	simm.s32 $0x1BF5;
	[smem:$0x3FBB] =	sst s0  }
0x18: {  	s0 =	sld [smem:$0x3F9E];
	_ =	swait.ge [sflag:s4], $0x0  }
0x19: {  	s7 =	sld [smem:$0x3F9F]  }
0x1a: {  	s8 =	sadd.s32 $0xFFFFE003, lr  }
0x1b: {  	s9 =	sadd.s32 $0xFFFFFEF7, lr;
	s5 =	simm.s32 $0xFFFFFFFF;
	p2 =	slt.u32 s8, $0xFFFFF086  }
0x1c: {  	p1 =	slt.u32 s9, $0xF7A;
	s5 =	simm.s32 @!p2 $0x0  }
0x1d: {  	s5 =	simm.s32 @p1 $0x1;
	p0 =	seq.s32 s7, s2  }
0x1e: {  	s7 =	smul.u32 @!p0 $0xF7A, s2;
	p2 =	seq.s32 @!p0 s5, $0x0  }
0x1f: {  	s9 =	smul.u32 $0xF7A, s1;
	s8 =	simm.s32 @!p0 $0x1BF5;
	p2 =	por !p2, p0  }
0x20: {  	[sflag:s8] =	ssyncset.s32 @!p0 $0xFFFFF086;
	s6 =	sadd.s32 @!p0 s3, s7;
	s7 =	simm.s32 @!p0 $0x108  }
0x21: {  	s3 =	sadd.s32 s3, s9;
	s6 =	sadd.s32 @!p0 $0x88, s6;
	s7 =	simm.s32 @p2 $0x1082  }
0x22: {  	[simem:s7], [sflag:s8] =	dma.local @!p0 [hbm:s6], $0xF7A  }
0x23: {  	s9 =	sor.u32 $0xD0000000, s2;
	s6 =	simm.s32 $0x108;
	_ =	swait.ge @!p0 [sflag:s8], $0x0  }
0x24: {  	s3 =	sadd.s32 $0x88, s3;
	s6 =	simm.s32 @!p1 $0x1082;
	[sflag:s4] =	ssyncset.s32 $0xFFFFF086  }
0x25: {  	[simem:s6], [sflag:s4] =	dma.local [hbm:s3], $0xF7A  }
0x26: {  	[smem:$0x3F9F] =	sst s1;
	(tag) =	ssettag s2;
	_ =	strace s9  }
0x27: {  	s1 =	sld [smem:$0x3FAF]  }
0x28: {  	s2 =	sld [smem:$0x3FB0]  }
0x29: {  	s4 =	sld [smem:$0x3FB2]  }
0x2a: {  	p0 =	seq.s32 s5, $0x0;
	s5 =	sld [smem:$0x3FB3]  }
0x2b: {  	s6 =	sld [smem:$0x3FB4]  }
0x2c: {  	s7 =	sld [smem:$0x3FB5]  }
0x2d: {  	s3 =	simm.s32 $0x108;
	s8 =	sld [smem:$0x3FB6]  }
0x2e: {  	s3 =	simm.s32 @!p0 $0x1082;
	s9 =	sld [smem:$0x3FB7]  }
0x2f: {  	lr =	sadd.s32 s0, s3;
	s0 =	sld [smem:$0x3FAE]  }
0x30: {  	s3 =	sld [smem:$0x3FB1]  }
0x31: {  	[smem:$0x3FBA] =	sst s10  }
0x32: {  	s10 =	sld [smem:$0x3FB8];
	_ =	sdelay $0x3  }
0x33: {  	p0 =	seq.s32 s10, $0x1;
	s10 =	sld [smem:$0x3FBA];
	_ =	sdelay $0x3  }
0x34: {  	[smem:$0x3FBA] =	sst s10  }
0x35: {  	s10 =	sld [smem:$0x3FB9];
	_ =	sdelay $0x3  }
0x36: {  	p1 =	seq.s32 s10, $0x1;
	s10 =	sld [smem:$0x3FBA];
	_ =	sdelay $0x3  }
0x37: {  	[smem:$0x3FBA] =	sst s10  }
0x38: {  	s10 =	sld [smem:$0x3FBB]  }
0x39: {  	_ = 	snop;
	(pc) =	sbr.ind lr, $3  }
0x3a: {  	_ = 	snop  }
0x3b: {  	_ = 	snop  }
0x3c: {  	p2 =	seq.s32 s10, $0x1;
	s10 =	sld [smem:$0x3FBA]  }
0x3d: {  	_ =	shalt  }
0x3e: {  	_ =	shalt  }
0x3f: {  	_ =	shalt  }
0x40: {  	_ =	shalt  }
0x41: {  	_ =	shalt  }
0x42: {  	_ =	shalt  }
0x43: {  	_ =	shalt  }
0x44: {  	_ =	shalt  }
0x45: {  	_ =	shalt  }
0x46: {  	_ =	shalt  }
0x47: {  	_ =	shalt  }
0x48: {  	_ =	shalt  }
0x49: {  	_ =	shalt  }
0x4a: {  	_ =	shalt  }
0x4b: {  	_ =	shalt  }
0x4c: {  	_ =	shalt  }
0x4d: {  	_ =	shalt  }
0x4e: {  	_ =	shalt  }
0x4f: {  	_ =	shalt  }
0x50: {  	_ =	shalt  }
0x51: {  	_ =	shalt  }
0x52: {  	_ =	shalt  }
0x53: {  	_ =	shalt  }
0x54: {  	_ =	shalt  }
0x55: {  	_ =	shalt  }
0x56: {  	_ =	shalt  }
0x57: {  	_ =	shalt  }
0x58: {  	_ =	shalt  }
0x59: {  	_ =	shalt  }
0x5a: {  	_ =	shalt  }
0x5b: {  	_ =	shalt  }
0x5c: {  	_ =	shalt  }
0x5d: {  	_ =	shalt  }
0x5e: {  	_ =	shalt  }
0x5f: {  	_ =	shalt  }
0x60: {  	_ =	shalt  }
0x61: {  	_ =	shalt  }
0x62: {  	_ =	shalt  }
0x63: {  	_ =	shalt  }
0x64: {  	_ =	shalt  }
0x65: {  	_ =	shalt  }
0x66: {  	_ =	shalt  }
0x67: {  	_ =	shalt  }
0x68: {  	_ =	shalt  }
0x69: {  	_ =	shalt  }
0x6a: {  	_ =	shalt  }
0x6b: {  	_ =	shalt  }
0x6c: {  	_ =	shalt  }
0x6d: {  	_ =	shalt  }
0x6e: {  	_ =	shalt  }
0x6f: {  	_ =	shalt  }
0x70: {  	_ =	shalt  }
0x71: {  	_ =	shalt  }
0x72: {  	_ =	shalt  }
0x73: {  	_ =	shalt  }
0x74: {  	_ =	shalt  }
0x75: {  	_ =	shalt  }
0x76: {  	_ =	shalt  }
0x77: {  	_ =	shalt  }
0x78: {  	_ =	shalt  }
0x79: {  	_ =	shalt  }
0x7a: {  	_ =	shalt  }
0x7b: {  	_ =	shalt  }
0x7c: {  	_ =	shalt  }
0x7d: {  	_ =	shalt  }
0x7e: {  	_ =	shalt  }
0x7f: {  	_ =	shalt  }
0x80: {  	_ =	shalt  }
0x81: {  	_ =	shalt  }
0x82: {  	_ =	shalt  }
0x83: {  	_ =	shalt  }
0x84: {  	_ =	shalt  }
0x85: {  	_ =	shalt  }
0x86: {  	_ =	shalt  }
0x87: {  	_ =	shalt  }
.Lfunc_end0:
.L_simem_size_0:
called_computation_lowered:
.L_overlay_start_0:
0x88: {  	s2 =	sld [smem:$0x3FD9]  }
0x89: {  	s3 =	sld [smem:$0x3FFE];
	_ =	sdelay $0x1  }
0x8a: {  	s1 =	srdreg.scid  }
0x8b: {  	s0 =	sand.u32 $0x1, s1  }
0x8c: {  	s17 =	sshll.u32 s0, $0xA;
	s2 =	sadd.s32 s3, s2  }
0x8d: {  	s2 =	sadd.s32 s2, s17  }
0x8e: {  	[smem:$0x3FC6] =	sst s2  }
0x8f: {  	_ = 	snop  }
0x90: {  	s2 =	sld [smem:$0x3FD0];
	(tm) =	ssettm $0x1  }
0x91: {  	s18 =	sld [smem:$0x3FFB];
	_ =	sdelay $0x3  }
0x92: {  	_ =	strace s18  }
0x93: {  	s3 =	sld [smem:$0x3FFC];
	_ =	sdelay $0x3  }
0x94: {  	_ =	strace s3  }
0x95: {  	s3 =	sld [smem:$0x3FFD];
	_ =	sdelay $0x3  }
0x96: {  	_ =	strace s3  }
0x97: {  	_ =	strace $0x8FFFFFFF  }
0x98: {  	s19 =	sld [smem:$0x3FDB];
	_ =	sdelay $0x1  }
0x99: {  	s4 =	simm.s32 $_scs_section_size  }
0x9a: {  	s5 =	simm.s32 $_size__tile_overlayer_lowered;
	s6 =	simm.s32 $_tile_overlayer_lowered  }
0x9b: {  	s22 =	simm.s32 $0x1BFF;
	s21 =	sshll.u32 s6, $0x1;
	s3 =	sadd.s32 s4, s19  }
0x9c: {  	s7 =	simm.s32 $0x0;
	s20 =	sshll.u32 s5, $0x1;
	s5 =	sadd.s32 s21, s3  }
0x9d: {  	[timem:s7], [sflag:s22] =	dma.local [hbm:s5], s20  }
0x9e: {  	_ =	swait.ge [sflag:s22], s20  }
0x9f: {  	s4 =	ssub.s32 $0x0, s20;
	[sflag:s22] =	ssyncset.done $0x0  }
0xa0: {  	[sflag:s22] =	ssyncadd.s32 s4;
	_ =	sdelay $0x1  }
0xa1: {  	s23 =	simm.s32 $0x1B8B  }
0xa2: {  	_ =	swait.ge [sflag:s23], $0x1  }
0xa3: {  	[sflag:s23] =	ssyncset.done $0x0  }
0xa4: {  	s25 =	simm.s32 $0x1B8E;
	s24 =	sld [smem:$0x3FFE];
	[sflag:s23] =	ssyncadd.s32 $0xFFFFFFFF  }
0xa5: {  	s26 =	simm.s32 $execute0_lowered;
	[smem:$0x3FD2] =	sst s25  }
0xa6: {  	s5 =	sshll.u32 s26, $0x1;
	_ =	strace $0x80000046;
	[dreg:$0x1] =	wrdreg $0xFFFFFFFF  }
0xa7: {  	s28 =	simm.s32 $_size_execute0_lowered;
	s3 =	sadd.s32 s3, s5;
	[dreg:$0x0] =	wrdreg $0x0  }
0xa8: {  	s5 =	sshll.u32 s28, $0x1;
	[dreg:$0x2] =	wrdreg s3  }
0xa9: {  	[dreg:$0x3] =	wrdreg s5  }
0xaa: {  	[dreg:$0x4] =	wrdreg $0xC0  }
0xab: {  	_ =	task [dreg:s7], $0x5FFFF  }
0xac: {  	[dreg:$0x1] =	wrdreg $0xFFFFFFFF  }
0xad: {  	[dreg:$0x0] =	wrdreg $0x60  }
0xae: {  	[dreg:$0x2] =	wrdreg s24  }
0xaf: {  	[dreg:$0x3] =	wrdreg s2  }
0xb0: {  	[dreg:$0x4] =	wrdreg $0x6C000  }
0xb1: {  	[dreg:$0x5] =	wrdreg $0x9  }
0xb2: {  	_ =	task.clear_ibuf [dreg:s7], $0x6FFFF;
	_ =	strace $0x90000046  }
0xb3: {  	s29 =	simm.s32 $0x9;
	_ =	strace $0x80000048  }
0xb4: {  	_ =	swait.ge [sflag:s29], $0x1  }
0xb5: {  	[sflag:s29] =	ssyncadd.s32 $0xFFFFFFFF  }
0xb6: {  	_ =	strace $0x90000048  }
0xb7: {  	_ =	sfence  }
0xb8: {  	s30 =	sld [smem:$0x0];
	_ =	sdelay $0x2  }
0xb9: {  	s31 =	sshll.u32 s1, $0xD;
	s1 =	sshrl.u32 s1, $0x2  }
0xba: {  	s3 =	sand.u32 $0x4000, s31;
	s1 =	sadd.s32 s1, s30  }
0xbb: {  	s0 =	sor.u32 s3, s0;
	s1 =	sshll.u32 s1, $0x11  }
0xbc: {  	s0 =	sor.u32 s1, s0  }
0xbd: {  	s0 =	sadd.s32 $0x8F2B, s0  }
0xbe: {  	[sflag:s0] =	ssyncadd.remote.s32 $0x1  }
0xbf: {  	_ =	sfence.sel $0xFFFF  }
0xc0: {  	[dreg:$0x0] =	wrdreg $0xFFFFFFFF;
	(pc) =	sbr.abs _section_cstart, $3  }
0xc1: {  	[dreg:$0x1] =	wrdreg $0xFFFFFFFF  }
0xc2: {  	_ =	task.clear_ibuf [dreg:s7], $0x2FFFF;
	_ =	strace $0x9FFFFFFF  }
0xc3: {  	(tm) =	ssettm $0x7FFFFFFF  }
tec
execute0_lowered:
.L_overlay_start_1:
0x0: {  	(tag) =	ssettag $0x1  }
0x1: {  	s4 =	rddreg [dreg:$0x0]  }
0x2: {  	s1 =	rddreg [dreg:$0x1]  }
0x3: {  	s2 =	rddreg [dreg:$0x2]  }
0x4: {  	s0 =	rddreg [dreg:$0x3];
	s3 =	simm.s32 $0x0;
	s9 =	stileid.u32  }
0x5: {  	s5 =	srdreg.scid;
	s16 =	simm.s32 $0x4100;
	s17 =	simm.s32 $0x4180  }
0x6: {  	s18 =	simm.s32 $0x4200;
	s19 =	simm.s32 $0x1;
	s20 =	simm.s32 $0x2  }
0x7: {  	s21 =	simm.s32 $0x3;
	s22 =	simm.s32 $0x4;
	s23 =	simm.s32 $0x5  }
0x8: {  	[smem:$0x7FF] =	sst s3;
	s6 =	sshll.u32 s9, $0xB;
	s5 =	sand.u32 $0x1, s5  }
0x9: {  	s8 =	smul.u32 $0x4E000, s9;
	s10 =	sadd.s32 $0x10400, s4;
	s12 =	sshll.u32 s9, $0x6  }
0xa: {  	s13 =	smul.u32 $0x13800, s9;
	p0 =	sne.s32 s9, $0x0;
	_ =	strace $0x80000047  }
0xb: {  	s6 =	sadd.s32 s6, s4;
	s7 =	ssub.s32 $0x2, s5;
	s11 =	smul.u32 $0x138800, s5  }
0xc: {  	s4 =	sor.u32 $0x1C06, s12;
	s12 =	sadd.s32 $0x138000, s2;
	s5 =	sshll.u32 s5, $0xF  }
0xd: {  	s28 =	sshrl.u32 s7, $0x1;
	s8 =	sshrl.u32 s8, $0x2;
	s5 =	sadd.s32 s5, s6  }
0xe: {  	s14 =	ssub.s32 s7, s28;
	s15 =	sadd.s32 s8, s2;
	s29 =	sadd.s32 s13, s11  }
.Ltmp0:
0xf: {  	s31 =	sshrl.u32 s11, $0x3;
	s5 =	sadd.s32 $0x400, s5;
	(pc) =	sbr.rel .LBB2_1-.Ltmp0, $4  }
0x10: {  	s11 =	sshrl.u32 @!p0 s12, $0x3;
	s12 =	simm.s32 $0x50;
	s13 =	simm.s32 $0x4000  }
0x11: {  	s30 =	sshrl.u32 s29, $0x3;
	s7 =	sadd.s32 s10, s31;
	s8 =	smax.u32 s14, $0x1  }
0x12: {  	s9 =	sshrl.u32 s15, $0x3;
	s14 =	simm.s32 $0x4400;
	s15 =	simm.s32 $0x4080  }
0x13: {  	v0 =	vimm.f32 $1.000000000e+00;
	s6 =	sadd.s32 s10, s30;
	s7 =	sadd.s32 $0x27000, s7;
	s10 =	simm.s32 $0x6  }
.LBB2_6:
0x14: {  	_ =	swait.ge [sflag:s20], $0x500  }
0x15: {  	[sflag:s20] =	ssyncset.done $0x0  }
0x16: {  	[sflag:s20] =	ssyncadd.s32 $0xFFFFFB00  }
0x17: {  	_ =	swait.ge [sflag:s21], $0x500  }
0x18: {  	[sflag:s21] =	ssyncset.done $0x0  }
0x19: {  	[sflag:s21] =	ssyncadd.s32 $0xFFFFFB00  }
0x1a: {  	_ =	swait.ge [sflag:s22], $0x500  }
0x1b: {  	[sflag:s22] =	ssyncset.done $0x0  }
0x1c: {  	[sflag:s22] =	ssyncadd.s32 $0xFFFFFB00  }
0x1d: {  	_ =	swait.ge [sflag:s23], $0x500  }
0x1e: {  	[sflag:s23] =	ssyncset.done $0x0  }
0x1f: {  	[sflag:s23] =	ssyncadd.s32 $0xFFFFFB00  }
0x20: {  	[bflag:$0x0] =	sbarrier.arrive $0xFFFF  }
0x21: {  	[hbm:s6], [sflag:s4] =	dma.local [spmem:s9], $0x2700  }
0x22: {  	s3 =	sadd.s32 $0x1, s3;
	_ =	swait.ge [sflag:s10], $0x2700  }
0x23: {  	p1 =	sne.s32 s3, s8;
	[sflag:s10] =	ssyncset.done $0x0  }
.Ltmp1:
0x24: {  	s24 =	simm.s32 @!p0 $0x6;
	[sflag:s10] =	ssyncadd.s32 $0xFFFFD900;
	(pc) =	sbr.rel @!p1 .LBB2_7-.Ltmp1, $4  }
0x25: {  	[hbm:s7], [sflag:s4] =	dma.local @!p0 [spmem:s11], $0x100  }
0x26: {  	_ =	swait.ge @!p0 [sflag:s24], $0x100  }
0x27: {  	[sflag:s24] =	ssyncset.done @!p0 $0x0  }
0x28: {  	[sflag:s24] =	ssyncadd.s32 @!p0 $0xFFFFFF00  }
.LBB2_1:
0x29: {  	s24 =	simm.s32 $0x200;
	s25 =	simm.s32 $0x0  }
.LBB2_2:
0x2a: {  	p1 =	sne.s32 s24, $0x9E00;
	[tilespmem:s25+$0x4400] =	vst v0;
	s25 =	smov.u32 s24;
	s24 =	sadd.s32 $0x200, s24  }
.Ltmp2:
0x2b: {  	(pc) =	sbr.rel @p1 .LBB2_2-.Ltmp2, $2  }
0x2c: {  	_ =	sdelay $0x2  }
0x2d: {  	s25 =	sshra.s32 s25, $0x2  }
0x2e: {  	[tilespmem:s25+$0x4400] =	vst v0  }
0x2f: {  	[spmem:s9], [sflag:s4] =	dma.local [hbm:s1], $0x2700  }
0x30: {  	_ =	swait.ge [sflag:s10], $0x2700  }
0x31: {  	[sflag:s10] =	ssyncset.done $0x0  }
0x32: {  	s24 =	simm.s32 @!p0 $0x6;
	[sflag:s10] =	ssyncadd.s32 $0xFFFFD900  }
0x33: {  	[spmem:s11], [sflag:s4] =	dma.local @!p0 [hbm:s1], $0x100  }
0x34: {  	_ =	swait.ge @!p0 [sflag:s24], $0x100  }
0x35: {  	[sflag:s24] =	ssyncset.done @!p0 $0x0  }
0x36: {  	[sflag:s24] =	ssyncadd.s32 @!p0 $0xFFFFFF00;
	s24 =	simm.s32 $0x0  }
0x37: {  	[tilespmem:s24], [sflag:$0x6] =	stream.linear.gather [hbm4b:s5+s24], $0x3E80, $0x38;
	[tilespmem:$0x9310] =	vst v63  }
0x38: {  	_ =	swait.ge [sflag:s10], $0x3E80  }
0x39: {  	[sflag:s10] =	ssyncset.done $0x0  }
0x3a: {  	[sflag:s10] =	ssyncadd.s32 $0xFFFFC180  }
0x3b: {  	[bflag:$0x0] =	sbarrier.arrive $0xFFFF  }
0x3c: {  	v1 =	vld [tilespmem:$0x0]  }
0x3d: {  	v2 =	vld [tilespmem:$0x10]  }
0x3e: {  	v3 =	vld [tilespmem:$0x20]  }
0x3f: {  	v4 =	vld [tilespmem:$0x30]  }
0x40: {  	v5 =	vld [tilespmem:$0x40]  }
0x41: {  	[tilespmem:$0x4000] =	vst v1  }
0x42: {  	[tilespmem:$0x4010] =	vst v2  }
0x43: {  	[tilespmem:$0x4020] =	vst v3  }
0x44: {  	[tilespmem:$0x4030] =	vst v4  }
0x45: {  	[tilespmem:$0x4040] =	vst v5  }
0x46: {  	[spmem:s2] =	stream.indirect.scatter.add.f32 [tilespmem:s14], [sflag:$0x1], $0x10, s13, s12, $0xb8;
	[tilespmem:$0x9310] =	vst v63  }
0x47: {  	v1 =	vld [tilespmem:$0x80]  }
0x48: {  	v2 =	vld [tilespmem:$0x90]  }
0x49: {  	v3 =	vld [tilespmem:$0xA0]  }
0x4a: {  	v58 =	vld [tilespmem:$0xB0]  }
0x4b: {  	v59 =	vld [tilespmem:$0xC0]  }
0x4c: {  	[tilespmem:$0x4080] =	vst v1  }
0x4d: {  	[tilespmem:$0x4090] =	vst v2  }
0x4e: {  	[tilespmem:$0x40A0] =	vst v3  }
0x4f: {  	[tilespmem:$0x40B0] =	vst v58  }
0x50: {  	[tilespmem:$0x40C0] =	vst v59  }
0x51: {  	[spmem:s2] =	stream.indirect.scatter.add.f32 [tilespmem:s14], [sflag:$0x2], $0x10, s15, s12, $0xb8;
	[tilespmem:$0x9310] =	vst v63  }
0x52: {  	v1 =	vld [tilespmem:$0x100]  }
0x53: {  	v2 =	vld [tilespmem:$0x110]  }
0x54: {  	v3 =	vld [tilespmem:$0x120]  }
0x55: {  	v60 =	vld [tilespmem:$0x130]  }
0x56: {  	v61 =	vld [tilespmem:$0x140]  }
0x57: {  	[tilespmem:$0x4100] =	vst v1  }
0x58: {  	[tilespmem:$0x4110] =	vst v2  }
0x59: {  	[tilespmem:$0x4120] =	vst v3  }
0x5a: {  	[tilespmem:$0x4130] =	vst v60  }
0x5b: {  	[tilespmem:$0x4140] =	vst v61  }
0x5c: {  	[spmem:s2] =	stream.indirect.scatter.add.f32 [tilespmem:s14], [sflag:$0x3], $0x10, s16, s12, $0xb8;
	[tilespmem:$0x9310] =	vst v63  }
0x5d: {  	v1 =	vld [tilespmem:$0x180]  }
0x5e: {  	v2 =	vld [tilespmem:$0x190]  }
0x5f: {  	v3 =	vld [tilespmem:$0x1A0]  }
0x60: {  	v62 =	vld [tilespmem:$0x1B0]  }
0x61: {  	v63 =	vld [tilespmem:$0x1C0]  }
0x62: {  	[tilespmem:$0x4180] =	vst v1  }
0x63: {  	[tilespmem:$0x4190] =	vst v2  }
0x64: {  	[tilespmem:$0x41A0] =	vst v3  }
0x65: {  	[tilespmem:$0x41B0] =	vst v62  }
0x66: {  	[tilespmem:$0x41C0] =	vst v63  }
0x67: {  	[spmem:s2] =	stream.indirect.scatter.add.f32 [tilespmem:s14], [sflag:$0x4], $0x10, s17, s12, $0xb8;
	[tilespmem:$0x9310] =	vst v63  }
.LBB2_4:
0x68: {  	p1 =	seq.s32 s24, $0x0  }
0x69: {  	s25 =	simm.s32 @!p1 $0x5  }
0x6a: {  	_ =	swait.ge @!p1 [sflag:s25], $0x500  }
0x6b: {  	[sflag:s25] =	ssyncset.done @!p1 $0x0  }
0x6c: {  	[sflag:s25] =	ssyncadd.s32 @!p1 $0xFFFFFB00;
	s25 =	sshra.s32 s24, $0x2  }
0x6d: {  	v1 =	vld [tilespmem:s25+$0x200];
	_ =	sdelay $0x4  }
0x6e: {  	[tilespmem:$0x4200] =	vst v1  }
0x6f: {  	v1 =	vld [tilespmem:s25+$0x210];
	_ =	sdelay $0x4  }
0x70: {  	[tilespmem:$0x4210] =	vst v1  }
0x71: {  	v1 =	vld [tilespmem:s25+$0x220];
	_ =	sdelay $0x4  }
0x72: {  	[tilespmem:$0x4220] =	vst v1  }
0x73: {  	v1 =	vld [tilespmem:s25+$0x230];
	_ =	sdelay $0x4  }
0x74: {  	[tilespmem:$0x4230] =	vst v1  }
0x75: {  	v1 =	vld [tilespmem:s25+$0x240];
	_ =	sdelay $0x3  }
0x76: {  	p1 =	seq.s32 s24, $0xF000  }
.Ltmp3:
0x77: {  	[tilespmem:$0x4240] =	vst v1;
	(pc) =	sbr.rel @p1 .LBB2_6-.Ltmp3, $4  }
0x78: {  	[spmem:s2] =	stream.indirect.scatter.add.f32 [tilespmem:s14], [sflag:$0x5], $0x10, s18, s12, $0xb8;
	[tilespmem:$0x9310] =	vst v63  }
0x79: {  	_ =	swait.ge [sflag:s19], $0x500  }
0x7a: {  	[sflag:s19] =	ssyncset.done $0x0  }
0x7b: {  	[sflag:s19] =	ssyncadd.s32 $0xFFFFFB00  }
0x7c: {  	v1 =	vld [tilespmem:s25+$0x280];
	_ =	sdelay $0x4  }
0x7d: {  	[tilespmem:$0x4000] =	vst v1  }
0x7e: {  	v1 =	vld [tilespmem:s25+$0x290];
	_ =	sdelay $0x4  }
0x7f: {  	[tilespmem:$0x4010] =	vst v1  }
0x80: {  	v1 =	vld [tilespmem:s25+$0x2A0];
	_ =	sdelay $0x4  }
0x81: {  	[tilespmem:$0x4020] =	vst v1  }
0x82: {  	v1 =	vld [tilespmem:s25+$0x2B0];
	_ =	sdelay $0x4  }
0x83: {  	[tilespmem:$0x4030] =	vst v1  }
0x84: {  	v1 =	vld [tilespmem:s25+$0x2C0];
	_ =	sdelay $0x4  }
0x85: {  	[tilespmem:$0x4040] =	vst v1  }
0x86: {  	[spmem:s2] =	stream.indirect.scatter.add.f32 [tilespmem:s14], [sflag:$0x1], $0x10, s13, s12, $0xb8;
	[tilespmem:$0x9310] =	vst v63  }
0x87: {  	_ =	swait.ge [sflag:s20], $0x500  }
0x88: {  	[sflag:s20] =	ssyncset.done $0x0  }
0x89: {  	[sflag:s20] =	ssyncadd.s32 $0xFFFFFB00  }
0x8a: {  	v1 =	vld [tilespmem:s25+$0x300];
	_ =	sdelay $0x4  }
0x8b: {  	[tilespmem:$0x4080] =	vst v1  }
0x8c: {  	v1 =	vld [tilespmem:s25+$0x310];
	_ =	sdelay $0x4  }
0x8d: {  	[tilespmem:$0x4090] =	vst v1  }
0x8e: {  	v1 =	vld [tilespmem:s25+$0x320];
	_ =	sdelay $0x4  }
0x8f: {  	[tilespmem:$0x40A0] =	vst v1  }
0x90: {  	v1 =	vld [tilespmem:s25+$0x330];
	_ =	sdelay $0x4  }
0x91: {  	[tilespmem:$0x40B0] =	vst v1  }
0x92: {  	v1 =	vld [tilespmem:s25+$0x340];
	_ =	sdelay $0x4  }
0x93: {  	[tilespmem:$0x40C0] =	vst v1  }
0x94: {  	[spmem:s2] =	stream.indirect.scatter.add.f32 [tilespmem:s14], [sflag:$0x2], $0x10, s15, s12, $0xb8;
	[tilespmem:$0x9310] =	vst v63  }
0x95: {  	_ =	swait.ge [sflag:s21], $0x500  }
0x96: {  	[sflag:s21] =	ssyncset.done $0x0  }
0x97: {  	[sflag:s21] =	ssyncadd.s32 $0xFFFFFB00  }
0x98: {  	v1 =	vld [tilespmem:s25+$0x380];
	_ =	sdelay $0x4  }
0x99: {  	[tilespmem:$0x4100] =	vst v1  }
0x9a: {  	v1 =	vld [tilespmem:s25+$0x390];
	_ =	sdelay $0x4  }
0x9b: {  	[tilespmem:$0x4110] =	vst v1  }
0x9c: {  	v1 =	vld [tilespmem:s25+$0x3A0];
	_ =	sdelay $0x4  }
0x9d: {  	[tilespmem:$0x4120] =	vst v1  }
0x9e: {  	v1 =	vld [tilespmem:s25+$0x3B0];
	_ =	sdelay $0x4  }
0x9f: {  	[tilespmem:$0x4130] =	vst v1  }
0xa0: {  	v1 =	vld [tilespmem:s25+$0x3C0];
	_ =	sdelay $0x4  }
0xa1: {  	[tilespmem:$0x4140] =	vst v1  }
0xa2: {  	[spmem:s2] =	stream.indirect.scatter.add.f32 [tilespmem:s14], [sflag:$0x3], $0x10, s16, s12, $0xb8;
	[tilespmem:$0x9310] =	vst v63  }
0xa3: {  	_ =	swait.ge [sflag:s22], $0x500  }
0xa4: {  	[sflag:s22] =	ssyncset.done $0x0  }
0xa5: {  	[sflag:s22] =	ssyncadd.s32 $0xFFFFFB00  }
0xa6: {  	v1 =	vld [tilespmem:s25+$0x400];
	_ =	sdelay $0x4  }
0xa7: {  	[tilespmem:$0x4180] =	vst v1  }
0xa8: {  	v1 =	vld [tilespmem:s25+$0x410];
	_ =	sdelay $0x4  }
0xa9: {  	[tilespmem:$0x4190] =	vst v1  }
0xaa: {  	v1 =	vld [tilespmem:s25+$0x420];
	_ =	sdelay $0x4  }
0xab: {  	[tilespmem:$0x41A0] =	vst v1  }
0xac: {  	v1 =	vld [tilespmem:s25+$0x430];
	_ =	sdelay $0x4  }
0xad: {  	[tilespmem:$0x41B0] =	vst v1  }
0xae: {  	v1 =	vld [tilespmem:s25+$0x440];
	_ =	sdelay $0x1  }
.Ltmp4:
0xaf: {  	_ = 	snop;
	(pc) =	sbr.rel .LBB2_4-.Ltmp4, $3  }
0xb0: {  	_ =	sdelay $0x1  }
0xb1: {  	s24 =	sadd.s32 $0xA00, s24;
	[tilespmem:$0x41C0] =	vst v1  }
0xb2: {  	[spmem:s2] =	stream.indirect.scatter.add.f32 [tilespmem:s14], [sflag:$0x4], $0x10, s17, s12, $0xb8;
	[tilespmem:$0x9310] =	vst v63  }
.LBB2_7:
0xb3: {  	_ =	sfence.sel $0x180000  }
0xb4: {  	[bflag:$0x0] =	sbarrier.arrive $0xFFFF  }
0xb5: {  	_ =	strace $0x90000047  }
0xb6: {  	s0 =	sadd.s32 @!p0 $0x100000, s0;
	[bflag:$0x2] =	sbarrier.arrive $0xFFFF  }
0xb7: {  	[sflag:s0] =	ssyncadd.tile.s32 @!p0 $0x1;
	_ =	shalt  }
.Lfunc_end2:
_tile_overlayer_lowered:
.L_overlay_start_2:
0xb8: {  	(tag) =	ssettag $0x2  }
0xb9: {  	s0 =	rddreg [dreg:$0x0];
	s2 =	stileid.u32  }
0xba: {  	s1 =	rddreg [dreg:$0x1];
	p0 =	sne.s32 s2, $0x0  }
0xbb: {  	s3 =	rddreg [dreg:$0x2];
	[bflag:$0x3] =	sbarrier.arrive $0xFFFF;
	s2 =	simm.s32 @!p0 $0x1C06  }
0xbc: {  	[timem:s3], [sflag:s2] =	dma.local @!p0 [hbm:s0], s1  }
0xbd: {  	s0 =	simm.s32 @!p0 $0x6  }
0xbe: {  	_ =	swait.ge @!p0 [sflag:s0], s1  }
0xbf: {  	s1 =	ssub.s32 @!p0 $0x0, s1;
	[sflag:s0] =	ssyncset.done @!p0 $0x0  }
0xc0: {  	[sflag:s0] =	ssyncadd.s32 @!p0 s1  }
0xc1: {  	[bflag:$0x3] =	sbarrier.arrive $0xFFFF  }
0xc2: {  	_ =	shalt  }

</sc_bundles>
